<compile_context>
chip_gen: v7x
topology: tpu7x:2x2x1
jax: 0.10.2.dev20260603
libtpu: 0.0.44.dev20260713+nightly
codegen_flags: <defaults>
</compile_context>

<pallas_src>
import functools
import math

import jax
import jax.numpy as jnp
import numpy as np
from jax.experimental import pallas as pl
from jax.experimental.pallas import tpu as pltpu

_BN_S = float(1.0 / np.sqrt(1.0 + 1e-5))


def _fold(layers):
    out = []
    for (W, g, b) in layers:
        out.append((W.T * (g * _BN_S)[None, :], b))
    return out


def _mlp_kernel(x_ref, *refs, nlayers, pool):
    h = x_ref[...]
    for i in range(nlayers):
        w = refs[2 * i][...]
        b = refs[2 * i + 1][...]
        h = jnp.dot(h, w, preferred_element_type=jnp.float32)
        h = jnp.maximum(h + b, 0.0)
    o_ref = refs[2 * nlayers]
    if pool > 1:
        r, c = h.shape
        h = jnp.max(h.reshape(r // pool, pool, c), axis=1)
    o_ref[...] = h


def _mlp_pallas(x, folded, tile=512, pool=1):
    N, Cin = x.shape
    nlayers = len(folded)
    Cout = folded[-1][0].shape[1]
    assert N % tile == 0 and tile % pool == 0
    in_specs = [pl.BlockSpec((tile, Cin), lambda i: (i, 0))]
    args = [x]
    for (Wt, b) in folded:
        ci, co = Wt.shape
        in_specs.append(pl.BlockSpec((ci, co), lambda i: (0, 0)))
        in_specs.append(pl.BlockSpec((1, co), lambda i: (0, 0)))
        args.append(Wt)
        args.append(b[None, :])
    out = pl.pallas_call(
        functools.partial(_mlp_kernel, nlayers=nlayers, pool=pool),
        grid=(N // tile,),
        in_specs=in_specs,
        out_specs=pl.BlockSpec((tile // pool, Cout), lambda i: (i, 0)),
        out_shape=jax.ShapeDtypeStruct((N // pool, Cout), jnp.float32),
    )(*args)
    return out


def _head_kernel(x_ref, w_ref, b_ref, o_ref):
    z = jnp.dot(x_ref[...], w_ref[...], preferred_element_type=jnp.float32)
    z = z + b_ref[...]
    m = jnp.max(z, axis=-1, keepdims=True)
    lse = jnp.log(jnp.sum(jnp.exp(z - m), axis=-1, keepdims=True))
    o_ref[...] = z - m - lse


def _head_pallas(x, Wb, tile=1024):
    W, b = Wb
    N, Cin = x.shape
    Cout = W.shape[0]
    out = pl.pallas_call(
        _head_kernel,
        grid=(N // tile,),
        in_specs=[
            pl.BlockSpec((tile, Cin), lambda i: (i, 0)),
            pl.BlockSpec((Cin, Cout), lambda i: (0, 0)),
            pl.BlockSpec((1, Cout), lambda i: (0, 0)),
        ],
        out_specs=pl.BlockSpec((tile, Cout), lambda i: (i, 0)),
        out_shape=jax.ShapeDtypeStruct((N, Cout), jnp.float32),
    )(x, W.T, b[None, :])
    return out



def _sqdist(a, b):
    return (jnp.sum(a * a, -1)[:, :, None] + jnp.sum(b * b, -1)[:, None, :]
            - 2.0 * jnp.einsum('bsd,bnd->bsn', a, b))


def _fps_kernel(x_ref, y_ref, z_ref, o_ref, d_ref, *, n, npoint):
    R, C = x_ref.shape
    iota = (jax.lax.broadcasted_iota(jnp.int32, (R, C), 0) * C
            + jax.lax.broadcasted_iota(jnp.int32, (R, C), 1))
    oR, oC = o_ref.shape
    oiota = (jax.lax.broadcasted_iota(jnp.int32, (oR, oC), 0) * oC
             + jax.lax.broadcasted_iota(jnp.int32, (oR, oC), 1))
    d_ref[...] = jnp.full((R, C), 1e10, jnp.float32)
    o_ref[...] = jnp.zeros((oR, oC), jnp.int32)

    def body(i, far):
        o_ref[...] += jnp.where(oiota == i, far, 0)
        x = x_ref[...]
        y = y_ref[...]
        z = z_ref[...]
        sel = iota == far
        cx = jnp.sum(jnp.where(sel, x, 0.0))
        cy = jnp.sum(jnp.where(sel, y, 0.0))
        cz = jnp.sum(jnp.where(sel, z, 0.0))
        dx = x - cx
        dy = y - cy
        dz = z - cz
        d = (dx * dx + dy * dy) + dz * dz
        nd = jnp.minimum(d_ref[...], d)
        d_ref[...] = nd
        m = jnp.max(nd)
        return jnp.min(jnp.where(nd == m, iota, n)).astype(jnp.int32)

    jax.lax.fori_loop(0, npoint, body, jnp.int32(0))


def _fps(xyz, npoint):
    B, N, _ = xyz.shape
    x = xyz[0, :, 0].reshape(8, N // 8)
    y = xyz[0, :, 1].reshape(8, N // 8)
    z = xyz[0, :, 2].reshape(8, N // 8)
    out = pl.pallas_call(
        functools.partial(_fps_kernel, n=N, npoint=npoint),
        in_specs=[pl.BlockSpec((8, N // 8), lambda: (0, 0))] * 3,
        out_specs=pl.BlockSpec((8, npoint // 8), lambda: (0, 0)),
        out_shape=jax.ShapeDtypeStruct((8, npoint // 8), jnp.int32),
        scratch_shapes=[pltpu.VMEM((8, N // 8), jnp.float32)],
    )(x, y, z)
    return out.reshape(1, npoint)


def _ball_query(radius, nsample, xyz, new_xyz):
    B, S, _ = new_xyz.shape
    N = xyz.shape[1]
    d = _sqdist(new_xyz, xyz)
    gi = jnp.broadcast_to(jnp.arange(N, dtype=jnp.int32)[None, None, :], (B, S, N))
    gi = jnp.where(d > radius * radius, N, gi)
    neg = jax.lax.top_k(-gi, nsample)[0]
    gi = -neg
    first = gi[:, :, :1]
    return jnp.where(gi == N, first, gi)


def _index_points(points, idx):
    return jax.vmap(lambda p, i: p[i])(points, idx)




def _sa1(xyz, feats, radius, nsample, layers):
    inds = _fps(xyz, 8192)
    new_xyz = _index_points(xyz, inds)
    idx = _ball_query(radius, nsample, xyz, new_xyz)
    g_feats = _index_points(feats, idx)
    g_xyz = (_index_points(xyz, idx) - new_xyz[:, :, None, :]) / radius
    g = jnp.concatenate([g_xyz, g_feats], -1)
    S = g.shape[1]
    folded = _fold(layers)
    h = _mlp_pallas(g.reshape(S * nsample, -1), folded, tile=32 * nsample,
                    pool=nsample)
    return new_xyz, h[None], inds


def _sa_noxyz(xyz, feats, npoint, radius, nsample, layers):
    inds = _fps(xyz, npoint)
    new_xyz = _index_points(xyz, inds)
    idx = _ball_query(radius, nsample, xyz, new_xyz)
    folded = _fold(layers)
    H = _mlp_pallas(feats[0], folded, tile=512)
    g = _index_points(H[None], idx)
    pooled = jnp.max(g, axis=2)
    return new_xyz, pooled, inds


def _knn3_kernel(c_ref, csq_ref, kt_ref, ksq_ref, di_ref, ii_ref, *, n):
    c = c_ref[...]
    cross = jnp.dot(c, kt_ref[...], preferred_element_type=jnp.float32)
    d = (csq_ref[...] + ksq_ref[...]) - 2.0 * cross
    iota = jax.lax.broadcasted_iota(jnp.int32, d.shape, 1)
    for t in range(3):
        mt = jnp.min(d, axis=1, keepdims=True)
        it = jnp.min(jnp.where(d == mt, iota, n), axis=1, keepdims=True)
        di_ref[:, t:t + 1] = mt
        ii_ref[:, t:t + 1] = it
        d = jnp.where(iota == it, jnp.float32(np.inf), d)


def _knn3(unk, kn, tile=128):
    S = unk.shape[0]
    N = kn.shape[0]
    csq = jnp.sum(unk * unk, -1)[:, None]
    ksq = jnp.sum(kn * kn, -1)[None, :]
    d, idx = pl.pallas_call(
        functools.partial(_knn3_kernel, n=N),
        grid=(S // tile,),
        in_specs=[
            pl.BlockSpec((tile, 3), lambda i: (i, 0)),
            pl.BlockSpec((tile, 1), lambda i: (i, 0)),
            pl.BlockSpec((3, N), lambda i: (0, 0)),
            pl.BlockSpec((1, N), lambda i: (0, 0)),
        ],
        out_specs=[pl.BlockSpec((tile, 3), lambda i: (i, 0))] * 2,
        out_shape=[jax.ShapeDtypeStruct((S, 3), jnp.float32),
                   jax.ShapeDtypeStruct((S, 3), jnp.int32)],
    )(unk, csq, kn.T, ksq)
    return d, idx


def _fp(unk_xyz, kn_xyz, skip, kn_feats, layers):
    d3, i3 = _knn3(unk_xyz[0], kn_xyz[0])
    idx = i3[None]
    dist = jnp.maximum(d3, 0.0)[None]
    w = 1.0 / (dist + 1e-8)
    w = w / jnp.sum(w, -1, keepdims=True)
    interp = jnp.sum(_index_points(kn_feats, idx) * w[..., None], axis=2)
    h = jnp.concatenate([interp, skip], -1)
    folded = _fold(layers)
    return _mlp_pallas(h[0], folded, tile=512)[None]


def kernel(pointcloud, params):
    xyz = pointcloud[..., 0:3]
    feats = pointcloud[..., 3:]
    local = _mlp_pallas(feats[0], _fold(params['local_feature']), tile=512)[None]
    local_prob = _head_pallas(local[0], params['local_predictor'])[None]

    x1, f1, i1 = _sa1(xyz, feats, 1.0, 16, params['sa1'])
    x2, f2, i2 = _sa_noxyz(x1, f1, 4096, 5.0, 64, params['sa2'])
    x3, f3, i3 = _sa_noxyz(x2, f2, 2048, 15.0, 64, params['sa3'])

    f = _fp(x2, x3, f2, f3, params['fp2'])
    f = _fp(x1, x2, f1, f, params['fp3'])
    skip = jnp.concatenate([xyz, feats], -1)
    f = _fp(xyz, x1, skip, f, params['fp4'])

    g = _mlp_pallas(f[0], _fold(params['global_feature']), tile=512)[None]
    global_prob = _head_pallas(g[0], params['global_predictor'])[None]

    h = jnp.concatenate([local, g], -1)
    h = _mlp_pallas(h[0], _fold([params['lgp_conv']]), tile=512)[None]
    pred = _head_pallas(h[0], params['lgp_out'])[None]
    return (pred, local_prob, global_prob)

# --- scband reference (transcript-rebuilt; emitter-appended) ---
"""Pipeline reference for scband-pointnet2-backbone-13984413515828 (READ-ONLY COPY).

The authoritative reference and input builder live on the scoring server;
editing this copy changes nothing except your own understanding.
"""

import jax, jax.numpy as jnp
import numpy as np

def _sqdist(a, b):
    return (jnp.sum(a * a, -1)[:, :, None] + jnp.sum(b * b, -1)[:, None, :]
            - 2.0 * jnp.einsum('bsd,bnd->bsn', a, b))

def _index_points(points, idx):
    return jax.vmap(lambda p, i: p[i])(points, idx)

def _fps(xyz, npoint):
    B, N, _ = xyz.shape
    def body(i, state):
        dists, inds, far = state
        inds = inds.at[:, i].set(far)
        centroid = jnp.take_along_axis(xyz, far[:, None, None], axis=1)
        d = jnp.sum((xyz - centroid) ** 2, -1)
        dists = jnp.minimum(dists, d)
        far = jnp.argmax(dists, -1).astype(jnp.int32)
        return (dists, inds, far)
    state = (jnp.full((B, N), 1e10, jnp.float32),
             jnp.zeros((B, npoint), jnp.int32),
             jnp.zeros((B,), jnp.int32))
    _, inds, _ = jax.lax.fori_loop(0, npoint, body, state)
    return inds

def _ball_query(radius, nsample, xyz, new_xyz):
    B, S, _ = new_xyz.shape
    N = xyz.shape[1]
    d = _sqdist(new_xyz, xyz)
    gi = jnp.broadcast_to(jnp.arange(N, dtype=jnp.int32)[None, None, :], (B, S, N))
    gi = jnp.where(d > radius * radius, N, gi)
    gi = jnp.sort(gi, axis=-1)[:, :, :nsample]
    first = gi[:, :, :1]
    return jnp.where(gi == N, first, gi)

def _mlp(h, layers):
    # 1x1 conv + BatchNorm(eval mode: running_mean=0, running_var=1) + ReLU; Dropout is identity in eval
    for (W, g, b) in layers:
        h = jnp.einsum('...i,oi->...o', h, W)
        h = h * (g / np.sqrt(1.0 + 1e-5)) + b
        h = jnp.maximum(h, 0.0)
    return h

def _sa(xyz, feats, npoint, radius, nsample, layers, use_xyz):
    inds = _fps(xyz, npoint)
    new_xyz = _index_points(xyz, inds)
    idx = _ball_query(radius, nsample, xyz, new_xyz)
    g_feats = _index_points(feats, idx)
    if use_xyz:
        g_xyz = (_index_points(xyz, idx) - new_xyz[:, :, None, :]) / radius  # normalize_xyz=True
        g_feats = jnp.concatenate([g_xyz, g_feats], -1)
    h = _mlp(g_feats, layers)
    return new_xyz, jnp.max(h, axis=2), inds

def _fp(unk_xyz, kn_xyz, skip, kn_feats, layers):
    d = _sqdist(unk_xyz, kn_xyz)
    negd, idx = jax.lax.top_k(-d, 3)
    dist = jnp.maximum(-negd, 0.0)
    w = 1.0 / (dist + 1e-8)
    w = w / jnp.sum(w, -1, keepdims=True)
    interp = jnp.sum(_index_points(kn_feats, idx) * w[..., None], axis=2)
    h = jnp.concatenate([interp, skip], -1)
    return _mlp(h, layers)

def _head(h, Wb):
    W, b = Wb
    return jax.nn.log_softmax(jnp.einsum('bni,oi->bno', h, W) + b, axis=-1)

def _forward(pointcloud, params):
    xyz = pointcloud[..., 0:3]
    feats = pointcloud[..., 3:]
    local = _mlp(feats, params['local_feature'])
    local_prob = _head(local, params['local_predictor'])
    x1, f1, i1 = _sa(xyz, feats, 8192, 1.0, 16, params['sa1'], True)
    x2, f2, i2 = _sa(x1, f1, 4096, 5.0, 64, params['sa2'], False)
    x3, f3, i3 = _sa(x2, f2, 2048, 15.0, 64, params['sa3'], False)
    f = _fp(x2, x3, f2, f3, params['fp2'])
    f = _fp(x1, x2, f1, f, params['fp3'])
    skip = jnp.concatenate([xyz, feats], -1)  # 3 + 160 = 163 channels -> fp4 in = 256+163 = 419
    f = _fp(xyz, x1, skip, f, params['fp4'])
    g = _mlp(f, params['global_feature'])
    global_prob = _head(g, params['global_predictor'])
    h = jnp.concatenate([local, g], -1)
    h = _mlp(h, [params['lgp_conv']])
    pred = _head(h, params['lgp_out'])
    return (pred, local_prob, global_prob)

def setup_inputs(seed: int = 0):
    key = jax.random.key(seed)
    keys = list(jax.random.split(key, 64))
    ctr = [0]
    def nk():
        k = keys[ctr[0]]
        ctr[0] += 1
        return k
    def conv(cin, cout):
        return jax.random.normal(nk(), (cout, cin), jnp.float32) * np.float32(np.sqrt(2.0 / cin))
    def cbn(cin, cout):
        return (conv(cin, cout), jnp.ones((cout,), jnp.float32), jnp.zeros((cout,), jnp.float32))
    params = {
        'local_feature': [cbn(160, 256), cbn(256, 256)],
        'local_predictor': (conv(256, 6), jnp.zeros((6,), jnp.float32)),
        'sa1': [cbn(163, 256), cbn(256, 256), cbn(256, 256)],
        'sa2': [cbn(256, 256), cbn(256, 256), cbn(256, 256)],
        'sa3': [cbn(256, 256), cbn(256, 256), cbn(256, 256)],
        'fp2': [cbn(512, 256), cbn(256, 256)],
        'fp3': [cbn(512, 256), cbn(256, 256)],
        'fp4': [cbn(419, 256), cbn(256, 256)],
        'global_feature': [cbn(256, 256)],
        'global_predictor': (conv(256, 6), jnp.zeros((6,), jnp.float32)),
        'lgp_conv': cbn(512, 256),
        'lgp_out': (conv(256, 6), jnp.zeros((6,), jnp.float32)),
    }
    pointcloud = jax.random.normal(nk(), (1, 8192, 163), jnp.float32)
    return {'pointcloud': pointcloud, 'params': params}

def reference(pointcloud, params):
    return _forward(pointcloud, params)

if __name__ == "__main__":
    import jax
    _d = setup_inputs()
    print(jax.jit(kernel)(*tuple(_d.values())))

</pallas_src>

<mosaic_0001>
module attributes {stable_mosaic.version = 14 : i64} {
  func.func @_mlp_kernel(%arg0: i32, %arg1: memref<512x160xf32, #tpu.memory_space<vmem>>, %arg2: memref<160x256xf32, #tpu.memory_space<vmem>>, %arg3: memref<1x256xf32, #tpu.memory_space<vmem>>, %arg4: memref<256x256xf32, #tpu.memory_space<vmem>>, %arg5: memref<1x256xf32, #tpu.memory_space<vmem>>, %arg6: memref<512x256xf32, #tpu.memory_space<vmem>>) attributes {dimension_semantics = [#tpu.dimension_semantics<arbitrary>], iteration_bounds = array<i64: 16>, scalar_prefetch = 0 : i64, scratch_operands = 0 : i64, tpu.core_type = #tpu.core_type<tc>, window_params = [{transform_indices = @transform_0, window_bounds = array<i64: 512, 160>}, {pipeline_mode = #tpu.pipeline_mode<synchronous>, transform_indices = @transform_1, window_bounds = array<i64: 160, 256>}, {pipeline_mode = #tpu.pipeline_mode<synchronous>, transform_indices = @transform_2, window_bounds = array<i64: 1, 256>}, {pipeline_mode = #tpu.pipeline_mode<synchronous>, transform_indices = @transform_3, window_bounds = array<i64: 256, 256>}, {pipeline_mode = #tpu.pipeline_mode<synchronous>, transform_indices = @transform_4, window_bounds = array<i64: 1, 256>}, {transform_indices = @transform_5, window_bounds = array<i64: 512, 256>}]} {
    %get3A = arith.constant 0 : index
    %get3A_0 = arith.constant 0 : index
    %get3A_1 = vector.load %arg1[%get3A, %get3A_0] : memref<512x160xf32, #tpu.memory_space<vmem>>, vector<512x160xf32>
    %get3A_2 = arith.constant 0 : index
    %get3A_3 = arith.constant 0 : index
    %get3A_4 = vector.load %arg2[%get3A_2, %get3A_3] : memref<160x256xf32, #tpu.memory_space<vmem>>, vector<160x256xf32>
    %get3A_5 = arith.constant 0 : index
    %get3A_6 = arith.constant 0 : index
    %get3A_7 = vector.load %arg3[%get3A_5, %get3A_6] : memref<1x256xf32, #tpu.memory_space<vmem>>, vector<1x256xf32>
    %dot_general3A = arith.constant dense<0.000000e+00> : vector<512x256xf32>
    %dot_general3A_8 = tpu.matmul %get3A_1, %get3A_4, %dot_general3A {dimension_numbers = #tpu.dot_dimension_numbers<[1], [0], [0], [1], [0, 0, 1, 1], [], []>, transpose_lhs_hint = false} : vector<512x160xf32>, vector<160x256xf32>, vector<512x256xf32> -> vector<512x256xf32>
    %add3A = vector.broadcast %get3A_7 : vector<1x256xf32> to vector<512x256xf32>
    %add3A_9 = arith.addf %dot_general3A_8, %add3A : vector<512x256xf32>
    %max3A = arith.constant 0.000000e+00 : f32
    %max3A_10 = vector.broadcast %max3A : f32 to vector<512x256xf32>
    %max3A_11 = arith.maximumf %add3A_9, %max3A_10 : vector<512x256xf32>
    %get3A_12 = arith.constant 0 : index
    %get3A_13 = arith.constant 0 : index
    %get3A_14 = vector.load %arg4[%get3A_12, %get3A_13] : memref<256x256xf32, #tpu.memory_space<vmem>>, vector<256x256xf32>
    %get3A_15 = arith.constant 0 : index
    %get3A_16 = arith.constant 0 : index
    %get3A_17 = vector.load %arg5[%get3A_15, %get3A_16] : memref<1x256xf32, #tpu.memory_space<vmem>>, vector<1x256xf32>
    %dot_general3A_18 = arith.constant dense<0.000000e+00> : vector<512x256xf32>
    %dot_general3A_19 = tpu.matmul %max3A_11, %get3A_14, %dot_general3A_18 {dimension_numbers = #tpu.dot_dimension_numbers<[1], [0], [0], [1], [0, 0, 1, 1], [], []>, transpose_lhs_hint = false} : vector<512x256xf32>, vector<256x256xf32>, vector<512x256xf32> -> vector<512x256xf32>
    %add3A_20 = vector.broadcast %get3A_17 : vector<1x256xf32> to vector<512x256xf32>
    %add3A_21 = arith.addf %dot_general3A_19, %add3A_20 : vector<512x256xf32>
    %max3A_22 = arith.constant 0.000000e+00 : f32
    %max3A_23 = vector.broadcast %max3A_22 : f32 to vector<512x256xf32>
    %max3A_24 = arith.maximumf %add3A_21, %max3A_23 : vector<512x256xf32>
    %swap3A = arith.constant 0 : index
    %swap3A_25 = arith.constant 0 : index
    %swap3A_26 = vector.load %arg6[%swap3A, %swap3A_25] : memref<512x256xf32, #tpu.memory_space<vmem>>, vector<512x256xf32>
    tpu.vector_store %arg6[%swap3A, %swap3A_25], %max3A_24 {strides = array<i32>} : memref<512x256xf32, #tpu.memory_space<vmem>>, vector<512x256xf32>,
    return
  }
  func.func @transform_0(%arg0: i32) -> (i32, i32) {
    %c0_i32 = arith.constant 0 : i32
    %c0_i32_0 = arith.constant 0 : i32
    return %arg0, %c0_i32 : i32, i32
  }
  func.func @transform_1(%arg0: i32) -> (i32, i32) {
    %c0_i32 = arith.constant 0 : i32
    %c0_i32_0 = arith.constant 0 : i32
    %c0_i32_1 = arith.constant 0 : i32
    return %c0_i32, %c0_i32_0 : i32, i32
  }
  func.func @transform_2(%arg0: i32) -> (i32, i32) {
    %c0_i32 = arith.constant 0 : i32
    %c0_i32_0 = arith.constant 0 : i32
    %c0_i32_1 = arith.constant 0 : i32
    return %c0_i32, %c0_i32_0 : i32, i32
  }
  func.func @transform_3(%arg0: i32) -> (i32, i32) {
    %c0_i32 = arith.constant 0 : i32
    %c0_i32_0 = arith.constant 0 : i32
    %c0_i32_1 = arith.constant 0 : i32
    return %c0_i32, %c0_i32_0 : i32, i32
  }
  func.func @transform_4(%arg0: i32) -> (i32, i32) {
    %c0_i32 = arith.constant 0 : i32
    %c0_i32_0 = arith.constant 0 : i32
    %c0_i32_1 = arith.constant 0 : i32
    return %c0_i32, %c0_i32_0 : i32, i32
  }
  func.func @transform_5(%arg0: i32) -> (i32, i32) {
    %c0_i32 = arith.constant 0 : i32
    %c0_i32_0 = arith.constant 0 : i32
    return %arg0, %c0_i32 : i32, i32
  }
}

module attributes {stable_mosaic.version = 14 : i64} {
  func.func @_head_kernel(%arg0: i32, %arg1: memref<1024x256xf32, #tpu.memory_space<vmem>>, %arg2: memref<256x6xf32, #tpu.memory_space<vmem>>, %arg3: memref<1x6xf32, #tpu.memory_space<vmem>>, %arg4: memref<1024x6xf32, #tpu.memory_space<vmem>>) attributes {dimension_semantics = [#tpu.dimension_semantics<arbitrary>], iteration_bounds = array<i64: 8>, scalar_prefetch = 0 : i64, scratch_operands = 0 : i64, tpu.core_type = #tpu.core_type<tc>, window_params = [{transform_indices = @transform_0, window_bounds = array<i64: 1024, 256>}, {pipeline_mode = #tpu.pipeline_mode<synchronous>, transform_indices = @transform_1, window_bounds = array<i64: 256, 6>}, {pipeline_mode = #tpu.pipeline_mode<synchronous>, transform_indices = @transform_2, window_bounds = array<i64: 1, 6>}, {transform_indices = @transform_3, window_bounds = array<i64: 1024, 6>}]} {
    %get3A = arith.constant 0 : index
    %get3A_0 = arith.constant 0 : index
    %get3A_1 = vector.load %arg1[%get3A, %get3A_0] : memref<1024x256xf32, #tpu.memory_space<vmem>>, vector<1024x256xf32>
    %get3A_2 = arith.constant 0 : index
    %get3A_3 = arith.constant 0 : index
    %get3A_4 = vector.load %arg2[%get3A_2, %get3A_3] : memref<256x6xf32, #tpu.memory_space<vmem>>, vector<256x6xf32>
    %dot_general3A = arith.constant dense<0.000000e+00> : vector<1024x6xf32>
    %dot_general3A_5 = tpu.matmul %get3A_1, %get3A_4, %dot_general3A {dimension_numbers = #tpu.dot_dimension_numbers<[1], [0], [0], [1], [0, 0, 1, 1], [], []>, transpose_lhs_hint = false} : vector<1024x256xf32>, vector<256x6xf32>, vector<1024x6xf32> -> vector<1024x6xf32>
    %get3A_6 = arith.constant 0 : index
    %get3A_7 = arith.constant 0 : index
    %get3A_8 = vector.load %arg3[%get3A_6, %get3A_7] : memref<1x6xf32, #tpu.memory_space<vmem>>, vector<1x6xf32>
    %add3A = vector.broadcast %get3A_8 : vector<1x6xf32> to vector<1024x6xf32>
    %add3A_9 = arith.addf %dot_general3A_5, %add3A : vector<1024x6xf32>
    %reduce_max3A = arith.constant dense<0xFF800000> : vector<1024xf32>
    %reduce_max3A_10 = vector.multi_reduction <maximumf>, %add3A_9, %reduce_max3A [1] : vector<1024x6xf32> to vector<1024xf32>
    %broadcast_in_dim3A = vector.shape_cast %reduce_max3A_10 : vector<1024xf32> to vector<1024x1xf32>
    %sub3A = vector.broadcast %broadcast_in_dim3A : vector<1024x1xf32> to vector<1024x6xf32>
    %sub3A_11 = arith.subf %add3A_9, %sub3A : vector<1024x6xf32>
    %exp3A = math.exp %sub3A_11 : vector<1024x6xf32>
    %reduce_sum3A = arith.constant dense<0.000000e+00> : vector<1024xf32>
    %reduce_sum3A_12 = vector.multi_reduction <add>, %exp3A, %reduce_sum3A [1] : vector<1024x6xf32> to vector<1024xf32>
    %broadcast_in_dim3A_13 = vector.shape_cast %reduce_sum3A_12 : vector<1024xf32> to vector<1024x1xf32>
    %log3A = math.log %broadcast_in_dim3A_13 : vector<1024x1xf32>
    %sub3A_14 = vector.broadcast %broadcast_in_dim3A : vector<1024x1xf32> to vector<1024x6xf32>
    %sub3A_15 = arith.subf %add3A_9, %sub3A_14 : vector<1024x6xf32>
    %sub3A_16 = vector.broadcast %log3A : vector<1024x1xf32> to vector<1024x6xf32>
    %sub3A_17 = arith.subf %sub3A_15, %sub3A_16 : vector<1024x6xf32>
    %swap3A = arith.constant 0 : index
    %swap3A_18 = arith.constant 0 : index
    %swap3A_19 = vector.load %arg4[%swap3A, %swap3A_18] : memref<1024x6xf32, #tpu.memory_space<vmem>>, vector<1024x6xf32>
    tpu.vector_store %arg4[%swap3A, %swap3A_18], %sub3A_17 {strides = array<i32>} : memref<1024x6xf32, #tpu.memory_space<vmem>>, vector<1024x6xf32>,
    return
  }
  func.func @transform_0(%arg0: i32) -> (i32, i32) {
    %c0_i32 = arith.constant 0 : i32
    %c0_i32_0 = arith.constant 0 : i32
    return %arg0, %c0_i32 : i32, i32
  }
  func.func @transform_1(%arg0: i32) -> (i32, i32) {
    %c0_i32 = arith.constant 0 : i32
    %c0_i32_0 = arith.constant 0 : i32
    %c0_i32_1 = arith.constant 0 : i32
    return %c0_i32, %c0_i32_0 : i32, i32
  }
  func.func @transform_2(%arg0: i32) -> (i32, i32) {
    %c0_i32 = arith.constant 0 : i32
    %c0_i32_0 = arith.constant 0 : i32
    %c0_i32_1 = arith.constant 0 : i32
    return %c0_i32, %c0_i32_0 : i32, i32
  }
  func.func @transform_3(%arg0: i32) -> (i32, i32) {
    %c0_i32 = arith.constant 0 : i32
    %c0_i32_0 = arith.constant 0 : i32
    return %arg0, %c0_i32 : i32, i32
  }
}

module attributes {stable_mosaic.version = 14 : i64} {
  func.func @_mlp_kernel(%arg0: i32, %arg1: memref<512x163xf32, #tpu.memory_space<vmem>>, %arg2: memref<163x256xf32, #tpu.memory_space<vmem>>, %arg3: memref<1x256xf32, #tpu.memory_space<vmem>>, %arg4: memref<256x256xf32, #tpu.memory_space<vmem>>, %arg5: memref<1x256xf32, #tpu.memory_space<vmem>>, %arg6: memref<256x256xf32, #tpu.memory_space<vmem>>, %arg7: memref<1x256xf32, #tpu.memory_space<vmem>>, %arg8: memref<32x256xf32, #tpu.memory_space<vmem>>) attributes {dimension_semantics = [#tpu.dimension_semantics<arbitrary>], iteration_bounds = array<i64: 256>, scalar_prefetch = 0 : i64, scratch_operands = 0 : i64, tpu.core_type = #tpu.core_type<tc>, window_params = [{transform_indices = @transform_0, window_bounds = array<i64: 512, 163>}, {pipeline_mode = #tpu.pipeline_mode<synchronous>, transform_indices = @transform_1, window_bounds = array<i64: 163, 256>}, {pipeline_mode = #tpu.pipeline_mode<synchronous>, transform_indices = @transform_2, window_bounds = array<i64: 1, 256>}, {pipeline_mode = #tpu.pipeline_mode<synchronous>, transform_indices = @transform_3, window_bounds = array<i64: 256, 256>}, {pipeline_mode = #tpu.pipeline_mode<synchronous>, transform_indices = @transform_4, window_bounds = array<i64: 1, 256>}, {pipeline_mode = #tpu.pipeline_mode<synchronous>, transform_indices = @transform_5, window_bounds = array<i64: 256, 256>}, {pipeline_mode = #tpu.pipeline_mode<synchronous>, transform_indices = @transform_6, window_bounds = array<i64: 1, 256>}, {transform_indices = @transform_7, window_bounds = array<i64: 32, 256>}]} {
    %get3A = arith.constant 0 : index
    %get3A_0 = arith.constant 0 : index
    %get3A_1 = vector.load %arg1[%get3A, %get3A_0] : memref<512x163xf32, #tpu.memory_space<vmem>>, vector<512x163xf32>
    %get3A_2 = arith.constant 0 : index
    %get3A_3 = arith.constant 0 : index
    %get3A_4 = vector.load %arg2[%get3A_2, %get3A_3] : memref<163x256xf32, #tpu.memory_space<vmem>>, vector<163x256xf32>
    %get3A_5 = arith.constant 0 : index
    %get3A_6 = arith.constant 0 : index
    %get3A_7 = vector.load %arg3[%get3A_5, %get3A_6] : memref<1x256xf32, #tpu.memory_space<vmem>>, vector<1x256xf32>
    %dot_general3A = arith.constant dense<0.000000e+00> : vector<512x256xf32>
    %dot_general3A_8 = tpu.matmul %get3A_1, %get3A_4, %dot_general3A {dimension_numbers = #tpu.dot_dimension_numbers<[1], [0], [0], [1], [0, 0, 1, 1], [], []>, transpose_lhs_hint = false} : vector<512x163xf32>, vector<163x256xf32>, vector<512x256xf32> -> vector<512x256xf32>
    %add3A = vector.broadcast %get3A_7 : vector<1x256xf32> to vector<512x256xf32>
    %add3A_9 = arith.addf %dot_general3A_8, %add3A : vector<512x256xf32>
    %max3A = arith.constant 0.000000e+00 : f32
    %max3A_10 = vector.broadcast %max3A : f32 to vector<512x256xf32>
    %max3A_11 = arith.maximumf %add3A_9, %max3A_10 : vector<512x256xf32>
    %get3A_12 = arith.constant 0 : index
    %get3A_13 = arith.constant 0 : index
    %get3A_14 = vector.load %arg4[%get3A_12, %get3A_13] : memref<256x256xf32, #tpu.memory_space<vmem>>, vector<256x256xf32>
    %get3A_15 = arith.constant 0 : index
    %get3A_16 = arith.constant 0 : index
    %get3A_17 = vector.load %arg5[%get3A_15, %get3A_16] : memref<1x256xf32, #tpu.memory_space<vmem>>, vector<1x256xf32>
    %dot_general3A_18 = arith.constant dense<0.000000e+00> : vector<512x256xf32>
    %dot_general3A_19 = tpu.matmul %max3A_11, %get3A_14, %dot_general3A_18 {dimension_numbers = #tpu.dot_dimension_numbers<[1], [0], [0], [1], [0, 0, 1, 1], [], []>, transpose_lhs_hint = false} : vector<512x256xf32>, vector<256x256xf32>, vector<512x256xf32> -> vector<512x256xf32>
    %add3A_20 = vector.broadcast %get3A_17 : vector<1x256xf32> to vector<512x256xf32>
    %add3A_21 = arith.addf %dot_general3A_19, %add3A_20 : vector<512x256xf32>
    %max3A_22 = arith.constant 0.000000e+00 : f32
    %max3A_23 = vector.broadcast %max3A_22 : f32 to vector<512x256xf32>
    %max3A_24 = arith.maximumf %add3A_21, %max3A_23 : vector<512x256xf32>
    %get3A_25 = arith.constant 0 : index
    %get3A_26 = arith.constant 0 : index
    %get3A_27 = vector.load %arg6[%get3A_25, %get3A_26] : memref<256x256xf32, #tpu.memory_space<vmem>>, vector<256x256xf32>
    %get3A_28 = arith.constant 0 : index
    %get3A_29 = arith.constant 0 : index
    %get3A_30 = vector.load %arg7[%get3A_28, %get3A_29] : memref<1x256xf32, #tpu.memory_space<vmem>>, vector<1x256xf32>
    %dot_general3A_31 = arith.constant dense<0.000000e+00> : vector<512x256xf32>
    %dot_general3A_32 = tpu.matmul %max3A_24, %get3A_27, %dot_general3A_31 {dimension_numbers = #tpu.dot_dimension_numbers<[1], [0], [0], [1], [0, 0, 1, 1], [], []>, transpose_lhs_hint = false} : vector<512x256xf32>, vector<256x256xf32>, vector<512x256xf32> -> vector<512x256xf32>
    %add3A_33 = vector.broadcast %get3A_30 : vector<1x256xf32> to vector<512x256xf32>
    %add3A_34 = arith.addf %dot_general3A_32, %add3A_33 : vector<512x256xf32>
    %max3A_35 = arith.constant 0.000000e+00 : f32
    %max3A_36 = vector.broadcast %max3A_35 : f32 to vector<512x256xf32>
    %max3A_37 = arith.maximumf %add3A_34, %max3A_36 : vector<512x256xf32>
    %reshape3A = vector.shape_cast %max3A_37 : vector<512x256xf32> to vector<32x16x256xf32>
    %reduce_max3A = arith.constant dense<0xFF800000> : vector<32x256xf32>
    %reduce_max3A_38 = vector.multi_reduction <maximumf>, %reshape3A, %reduce_max3A [1] : vector<32x16x256xf32> to vector<32x256xf32>
    %swap3A = arith.constant 0 : index
    %swap3A_39 = arith.constant 0 : index
    %swap3A_40 = vector.load %arg8[%swap3A, %swap3A_39] : memref<32x256xf32, #tpu.memory_space<vmem>>, vector<32x256xf32>
    tpu.vector_store %arg8[%swap3A, %swap3A_39], %reduce_max3A_38 {strides = array<i32>} : memref<32x256xf32, #tpu.memory_space<vmem>>, vector<32x256xf32>,
    return
  }
  func.func @transform_0(%arg0: i32) -> (i32, i32) {
    %c0_i32 = arith.constant 0 : i32
    %c0_i32_0 = arith.constant 0 : i32
    return %arg0, %c0_i32 : i32, i32
  }
  func.func @transform_1(%arg0: i32) -> (i32, i32) {
    %c0_i32 = arith.constant 0 : i32
    %c0_i32_0 = arith.constant 0 : i32
    %c0_i32_1 = arith.constant 0 : i32
    return %c0_i32, %c0_i32_0 : i32, i32
  }
  func.func @transform_2(%arg0: i32) -> (i32, i32) {
    %c0_i32 = arith.constant 0 : i32
    %c0_i32_0 = arith.constant 0 : i32
    %c0_i32_1 = arith.constant 0 : i32
    return %c0_i32, %c0_i32_0 : i32, i32
  }
  func.func @transform_3(%arg0: i32) -> (i32, i32) {
    %c0_i32 = arith.constant 0 : i32
    %c0_i32_0 = arith.constant 0 : i32
    %c0_i32_1 = arith.constant 0 : i32
    return %c0_i32, %c0_i32_0 : i32, i32
  }
  func.func @transform_4(%arg0: i32) -> (i32, i32) {
    %c0_i32 = arith.constant 0 : i32
    %c0_i32_0 = arith.constant 0 : i32
    %c0_i32_1 = arith.constant 0 : i32
    return %c0_i32, %c0_i32_0 : i32, i32
  }
  func.func @transform_5(%arg0: i32) -> (i32, i32) {
    %c0_i32 = arith.constant 0 : i32
    %c0_i32_0 = arith.constant 0 : i32
    %c0_i32_1 = arith.constant 0 : i32
    return %c0_i32, %c0_i32_0 : i32, i32
  }
  func.func @transform_6(%arg0: i32) -> (i32, i32) {
    %c0_i32 = arith.constant 0 : i32
    %c0_i32_0 = arith.constant 0 : i32
    %c0_i32_1 = arith.constant 0 : i32
    return %c0_i32, %c0_i32_0 : i32, i32
  }
  func.func @transform_7(%arg0: i32) -> (i32, i32) {
    %c0_i32 = arith.constant 0 : i32
    %c0_i32_0 = arith.constant 0 : i32
    return %arg0, %c0_i32 : i32, i32
  }
}

module attributes {stable_mosaic.version = 14 : i64} {
  func.func @_mlp_kernel(%arg0: i32, %arg1: memref<512x256xf32, #tpu.memory_space<vmem>>, %arg2: memref<256x256xf32, #tpu.memory_space<vmem>>, %arg3: memref<1x256xf32, #tpu.memory_space<vmem>>, %arg4: memref<256x256xf32, #tpu.memory_space<vmem>>, %arg5: memref<1x256xf32, #tpu.memory_space<vmem>>, %arg6: memref<256x256xf32, #tpu.memory_space<vmem>>, %arg7: memref<1x256xf32, #tpu.memory_space<vmem>>, %arg8: memref<512x256xf32, #tpu.memory_space<vmem>>) attributes {dimension_semantics = [#tpu.dimension_semantics<arbitrary>], iteration_bounds = array<i64: 16>, scalar_prefetch = 0 : i64, scratch_operands = 0 : i64, tpu.core_type = #tpu.core_type<tc>, window_params = [{transform_indices = @transform_0, window_bounds = array<i64: 512, 256>}, {pipeline_mode = #tpu.pipeline_mode<synchronous>, transform_indices = @transform_1, window_bounds = array<i64: 256, 256>}, {pipeline_mode = #tpu.pipeline_mode<synchronous>, transform_indices = @transform_2, window_bounds = array<i64: 1, 256>}, {pipeline_mode = #tpu.pipeline_mode<synchronous>, transform_indices = @transform_3, window_bounds = array<i64: 256, 256>}, {pipeline_mode = #tpu.pipeline_mode<synchronous>, transform_indices = @transform_4, window_bounds = array<i64: 1, 256>}, {pipeline_mode = #tpu.pipeline_mode<synchronous>, transform_indices = @transform_5, window_bounds = array<i64: 256, 256>}, {pipeline_mode = #tpu.pipeline_mode<synchronous>, transform_indices = @transform_6, window_bounds = array<i64: 1, 256>}, {transform_indices = @transform_7, window_bounds = array<i64: 512, 256>}]} {
    %get3A = arith.constant 0 : index
    %get3A_0 = arith.constant 0 : index
    %get3A_1 = vector.load %arg1[%get3A, %get3A_0] : memref<512x256xf32, #tpu.memory_space<vmem>>, vector<512x256xf32>
    %get3A_2 = arith.constant 0 : index
    %get3A_3 = arith.constant 0 : index
    %get3A_4 = vector.load %arg2[%get3A_2, %get3A_3] : memref<256x256xf32, #tpu.memory_space<vmem>>, vector<256x256xf32>
    %get3A_5 = arith.constant 0 : index
    %get3A_6 = arith.constant 0 : index
    %get3A_7 = vector.load %arg3[%get3A_5, %get3A_6] : memref<1x256xf32, #tpu.memory_space<vmem>>, vector<1x256xf32>
    %dot_general3A = arith.constant dense<0.000000e+00> : vector<512x256xf32>
    %dot_general3A_8 = tpu.matmul %get3A_1, %get3A_4, %dot_general3A {dimension_numbers = #tpu.dot_dimension_numbers<[1], [0], [0], [1], [0, 0, 1, 1], [], []>, transpose_lhs_hint = false} : vector<512x256xf32>, vector<256x256xf32>, vector<512x256xf32> -> vector<512x256xf32>
    %add3A = vector.broadcast %get3A_7 : vector<1x256xf32> to vector<512x256xf32>
    %add3A_9 = arith.addf %dot_general3A_8, %add3A : vector<512x256xf32>
    %max3A = arith.constant 0.000000e+00 : f32
    %max3A_10 = vector.broadcast %max3A : f32 to vector<512x256xf32>
    %max3A_11 = arith.maximumf %add3A_9, %max3A_10 : vector<512x256xf32>
    %get3A_12 = arith.constant 0 : index
    %get3A_13 = arith.constant 0 : index
    %get3A_14 = vector.load %arg4[%get3A_12, %get3A_13] : memref<256x256xf32, #tpu.memory_space<vmem>>, vector<256x256xf32>
    %get3A_15 = arith.constant 0 : index
    %get3A_16 = arith.constant 0 : index
    %get3A_17 = vector.load %arg5[%get3A_15, %get3A_16] : memref<1x256xf32, #tpu.memory_space<vmem>>, vector<1x256xf32>
    %dot_general3A_18 = arith.constant dense<0.000000e+00> : vector<512x256xf32>
    %dot_general3A_19 = tpu.matmul %max3A_11, %get3A_14, %dot_general3A_18 {dimension_numbers = #tpu.dot_dimension_numbers<[1], [0], [0], [1], [0, 0, 1, 1], [], []>, transpose_lhs_hint = false} : vector<512x256xf32>, vector<256x256xf32>, vector<512x256xf32> -> vector<512x256xf32>
    %add3A_20 = vector.broadcast %get3A_17 : vector<1x256xf32> to vector<512x256xf32>
    %add3A_21 = arith.addf %dot_general3A_19, %add3A_20 : vector<512x256xf32>
    %max3A_22 = arith.constant 0.000000e+00 : f32
    %max3A_23 = vector.broadcast %max3A_22 : f32 to vector<512x256xf32>
    %max3A_24 = arith.maximumf %add3A_21, %max3A_23 : vector<512x256xf32>
    %get3A_25 = arith.constant 0 : index
    %get3A_26 = arith.constant 0 : index
    %get3A_27 = vector.load %arg6[%get3A_25, %get3A_26] : memref<256x256xf32, #tpu.memory_space<vmem>>, vector<256x256xf32>
    %get3A_28 = arith.constant 0 : index
    %get3A_29 = arith.constant 0 : index
    %get3A_30 = vector.load %arg7[%get3A_28, %get3A_29] : memref<1x256xf32, #tpu.memory_space<vmem>>, vector<1x256xf32>
    %dot_general3A_31 = arith.constant dense<0.000000e+00> : vector<512x256xf32>
    %dot_general3A_32 = tpu.matmul %max3A_24, %get3A_27, %dot_general3A_31 {dimension_numbers = #tpu.dot_dimension_numbers<[1], [0], [0], [1], [0, 0, 1, 1], [], []>, transpose_lhs_hint = false} : vector<512x256xf32>, vector<256x256xf32>, vector<512x256xf32> -> vector<512x256xf32>
    %add3A_33 = vector.broadcast %get3A_30 : vector<1x256xf32> to vector<512x256xf32>
    %add3A_34 = arith.addf %dot_general3A_32, %add3A_33 : vector<512x256xf32>
    %max3A_35 = arith.constant 0.000000e+00 : f32
    %max3A_36 = vector.broadcast %max3A_35 : f32 to vector<512x256xf32>
    %max3A_37 = arith.maximumf %add3A_34, %max3A_36 : vector<512x256xf32>
    %swap3A = arith.constant 0 : index
    %swap3A_38 = arith.constant 0 : index
    %swap3A_39 = vector.load %arg8[%swap3A, %swap3A_38] : memref<512x256xf32, #tpu.memory_space<vmem>>, vector<512x256xf32>
    tpu.vector_store %arg8[%swap3A, %swap3A_38], %max3A_37 {strides = array<i32>} : memref<512x256xf32, #tpu.memory_space<vmem>>, vector<512x256xf32>,
    return
  }
  func.func @transform_0(%arg0: i32) -> (i32, i32) {
    %c0_i32 = arith.constant 0 : i32
    %c0_i32_0 = arith.constant 0 : i32
    return %arg0, %c0_i32 : i32, i32
  }
  func.func @transform_1(%arg0: i32) -> (i32, i32) {
    %c0_i32 = arith.constant 0 : i32
    %c0_i32_0 = arith.constant 0 : i32
    %c0_i32_1 = arith.constant 0 : i32
    return %c0_i32, %c0_i32_0 : i32, i32
  }
  func.func @transform_2(%arg0: i32) -> (i32, i32) {
    %c0_i32 = arith.constant 0 : i32
    %c0_i32_0 = arith.constant 0 : i32
    %c0_i32_1 = arith.constant 0 : i32
    return %c0_i32, %c0_i32_0 : i32, i32
  }
  func.func @transform_3(%arg0: i32) -> (i32, i32) {
    %c0_i32 = arith.constant 0 : i32
    %c0_i32_0 = arith.constant 0 : i32
    %c0_i32_1 = arith.constant 0 : i32
    return %c0_i32, %c0_i32_0 : i32, i32
  }
  func.func @transform_4(%arg0: i32) -> (i32, i32) {
    %c0_i32 = arith.constant 0 : i32
    %c0_i32_0 = arith.constant 0 : i32
    %c0_i32_1 = arith.constant 0 : i32
    return %c0_i32, %c0_i32_0 : i32, i32
  }
  func.func @transform_5(%arg0: i32) -> (i32, i32) {
    %c0_i32 = arith.constant 0 : i32
    %c0_i32_0 = arith.constant 0 : i32
    %c0_i32_1 = arith.constant 0 : i32
    return %c0_i32, %c0_i32_0 : i32, i32
  }
  func.func @transform_6(%arg0: i32) -> (i32, i32) {
    %c0_i32 = arith.constant 0 : i32
    %c0_i32_0 = arith.constant 0 : i32
    %c0_i32_1 = arith.constant 0 : i32
    return %c0_i32, %c0_i32_0 : i32, i32
  }
  func.func @transform_7(%arg0: i32) -> (i32, i32) {
    %c0_i32 = arith.constant 0 : i32
    %c0_i32_0 = arith.constant 0 : i32
    return %arg0, %c0_i32 : i32, i32
  }
}

module attributes {stable_mosaic.version = 14 : i64} {
  func.func @_mlp_kernel(%arg0: i32, %arg1: memref<512x256xf32, #tpu.memory_space<vmem>>, %arg2: memref<256x256xf32, #tpu.memory_space<vmem>>, %arg3: memref<1x256xf32, #tpu.memory_space<vmem>>, %arg4: memref<256x256xf32, #tpu.memory_space<vmem>>, %arg5: memref<1x256xf32, #tpu.memory_space<vmem>>, %arg6: memref<256x256xf32, #tpu.memory_space<vmem>>, %arg7: memref<1x256xf32, #tpu.memory_space<vmem>>, %arg8: memref<512x256xf32, #tpu.memory_space<vmem>>) attributes {dimension_semantics = [#tpu.dimension_semantics<arbitrary>], iteration_bounds = array<i64: 8>, scalar_prefetch = 0 : i64, scratch_operands = 0 : i64, tpu.core_type = #tpu.core_type<tc>, window_params = [{transform_indices = @transform_0, window_bounds = array<i64: 512, 256>}, {pipeline_mode = #tpu.pipeline_mode<synchronous>, transform_indices = @transform_1, window_bounds = array<i64: 256, 256>}, {pipeline_mode = #tpu.pipeline_mode<synchronous>, transform_indices = @transform_2, window_bounds = array<i64: 1, 256>}, {pipeline_mode = #tpu.pipeline_mode<synchronous>, transform_indices = @transform_3, window_bounds = array<i64: 256, 256>}, {pipeline_mode = #tpu.pipeline_mode<synchronous>, transform_indices = @transform_4, window_bounds = array<i64: 1, 256>}, {pipeline_mode = #tpu.pipeline_mode<synchronous>, transform_indices = @transform_5, window_bounds = array<i64: 256, 256>}, {pipeline_mode = #tpu.pipeline_mode<synchronous>, transform_indices = @transform_6, window_bounds = array<i64: 1, 256>}, {transform_indices = @transform_7, window_bounds = array<i64: 512, 256>}]} {
    %get3A = arith.constant 0 : index
    %get3A_0 = arith.constant 0 : index
    %get3A_1 = vector.load %arg1[%get3A, %get3A_0] : memref<512x256xf32, #tpu.memory_space<vmem>>, vector<512x256xf32>
    %get3A_2 = arith.constant 0 : index
    %get3A_3 = arith.constant 0 : index
    %get3A_4 = vector.load %arg2[%get3A_2, %get3A_3] : memref<256x256xf32, #tpu.memory_space<vmem>>, vector<256x256xf32>
    %get3A_5 = arith.constant 0 : index
    %get3A_6 = arith.constant 0 : index
    %get3A_7 = vector.load %arg3[%get3A_5, %get3A_6] : memref<1x256xf32, #tpu.memory_space<vmem>>, vector<1x256xf32>
    %dot_general3A = arith.constant dense<0.000000e+00> : vector<512x256xf32>
    %dot_general3A_8 = tpu.matmul %get3A_1, %get3A_4, %dot_general3A {dimension_numbers = #tpu.dot_dimension_numbers<[1], [0], [0], [1], [0, 0, 1, 1], [], []>, transpose_lhs_hint = false} : vector<512x256xf32>, vector<256x256xf32>, vector<512x256xf32> -> vector<512x256xf32>
    %add3A = vector.broadcast %get3A_7 : vector<1x256xf32> to vector<512x256xf32>
    %add3A_9 = arith.addf %dot_general3A_8, %add3A : vector<512x256xf32>
    %max3A = arith.constant 0.000000e+00 : f32
    %max3A_10 = vector.broadcast %max3A : f32 to vector<512x256xf32>
    %max3A_11 = arith.maximumf %add3A_9, %max3A_10 : vector<512x256xf32>
    %get3A_12 = arith.constant 0 : index
    %get3A_13 = arith.constant 0 : index
    %get3A_14 = vector.load %arg4[%get3A_12, %get3A_13] : memref<256x256xf32, #tpu.memory_space<vmem>>, vector<256x256xf32>
    %get3A_15 = arith.constant 0 : index
    %get3A_16 = arith.constant 0 : index
    %get3A_17 = vector.load %arg5[%get3A_15, %get3A_16] : memref<1x256xf32, #tpu.memory_space<vmem>>, vector<1x256xf32>
    %dot_general3A_18 = arith.constant dense<0.000000e+00> : vector<512x256xf32>
    %dot_general3A_19 = tpu.matmul %max3A_11, %get3A_14, %dot_general3A_18 {dimension_numbers = #tpu.dot_dimension_numbers<[1], [0], [0], [1], [0, 0, 1, 1], [], []>, transpose_lhs_hint = false} : vector<512x256xf32>, vector<256x256xf32>, vector<512x256xf32> -> vector<512x256xf32>
    %add3A_20 = vector.broadcast %get3A_17 : vector<1x256xf32> to vector<512x256xf32>
    %add3A_21 = arith.addf %dot_general3A_19, %add3A_20 : vector<512x256xf32>
    %max3A_22 = arith.constant 0.000000e+00 : f32
    %max3A_23 = vector.broadcast %max3A_22 : f32 to vector<512x256xf32>
    %max3A_24 = arith.maximumf %add3A_21, %max3A_23 : vector<512x256xf32>
    %get3A_25 = arith.constant 0 : index
    %get3A_26 = arith.constant 0 : index
    %get3A_27 = vector.load %arg6[%get3A_25, %get3A_26] : memref<256x256xf32, #tpu.memory_space<vmem>>, vector<256x256xf32>
    %get3A_28 = arith.constant 0 : index
    %get3A_29 = arith.constant 0 : index
    %get3A_30 = vector.load %arg7[%get3A_28, %get3A_29] : memref<1x256xf32, #tpu.memory_space<vmem>>, vector<1x256xf32>
    %dot_general3A_31 = arith.constant dense<0.000000e+00> : vector<512x256xf32>
    %dot_general3A_32 = tpu.matmul %max3A_24, %get3A_27, %dot_general3A_31 {dimension_numbers = #tpu.dot_dimension_numbers<[1], [0], [0], [1], [0, 0, 1, 1], [], []>, transpose_lhs_hint = false} : vector<512x256xf32>, vector<256x256xf32>, vector<512x256xf32> -> vector<512x256xf32>
    %add3A_33 = vector.broadcast %get3A_30 : vector<1x256xf32> to vector<512x256xf32>
    %add3A_34 = arith.addf %dot_general3A_32, %add3A_33 : vector<512x256xf32>
    %max3A_35 = arith.constant 0.000000e+00 : f32
    %max3A_36 = vector.broadcast %max3A_35 : f32 to vector<512x256xf32>
    %max3A_37 = arith.maximumf %add3A_34, %max3A_36 : vector<512x256xf32>
    %swap3A = arith.constant 0 : index
    %swap3A_38 = arith.constant 0 : index
    %swap3A_39 = vector.load %arg8[%swap3A, %swap3A_38] : memref<512x256xf32, #tpu.memory_space<vmem>>, vector<512x256xf32>
    tpu.vector_store %arg8[%swap3A, %swap3A_38], %max3A_37 {strides = array<i32>} : memref<512x256xf32, #tpu.memory_space<vmem>>, vector<512x256xf32>,
    return
  }
  func.func @transform_0(%arg0: i32) -> (i32, i32) {
    %c0_i32 = arith.constant 0 : i32
    %c0_i32_0 = arith.constant 0 : i32
    return %arg0, %c0_i32 : i32, i32
  }
  func.func @transform_1(%arg0: i32) -> (i32, i32) {
    %c0_i32 = arith.constant 0 : i32
    %c0_i32_0 = arith.constant 0 : i32
    %c0_i32_1 = arith.constant 0 : i32
    return %c0_i32, %c0_i32_0 : i32, i32
  }
  func.func @transform_2(%arg0: i32) -> (i32, i32) {
    %c0_i32 = arith.constant 0 : i32
    %c0_i32_0 = arith.constant 0 : i32
    %c0_i32_1 = arith.constant 0 : i32
    return %c0_i32, %c0_i32_0 : i32, i32
  }
  func.func @transform_3(%arg0: i32) -> (i32, i32) {
    %c0_i32 = arith.constant 0 : i32
    %c0_i32_0 = arith.constant 0 : i32
    %c0_i32_1 = arith.constant 0 : i32
    return %c0_i32, %c0_i32_0 : i32, i32
  }
  func.func @transform_4(%arg0: i32) -> (i32, i32) {
    %c0_i32 = arith.constant 0 : i32
    %c0_i32_0 = arith.constant 0 : i32
    %c0_i32_1 = arith.constant 0 : i32
    return %c0_i32, %c0_i32_0 : i32, i32
  }
  func.func @transform_5(%arg0: i32) -> (i32, i32) {
    %c0_i32 = arith.constant 0 : i32
    %c0_i32_0 = arith.constant 0 : i32
    %c0_i32_1 = arith.constant 0 : i32
    return %c0_i32, %c0_i32_0 : i32, i32
  }
  func.func @transform_6(%arg0: i32) -> (i32, i32) {
    %c0_i32 = arith.constant 0 : i32
    %c0_i32_0 = arith.constant 0 : i32
    %c0_i32_1 = arith.constant 0 : i32
    return %c0_i32, %c0_i32_0 : i32, i32
  }
  func.func @transform_7(%arg0: i32) -> (i32, i32) {
    %c0_i32 = arith.constant 0 : i32
    %c0_i32_0 = arith.constant 0 : i32
    return %arg0, %c0_i32 : i32, i32
  }
}

module attributes {stable_mosaic.version = 14 : i64} {
  func.func @_mlp_kernel(%arg0: i32, %arg1: memref<512x256xf32, #tpu.memory_space<vmem>>, %arg2: memref<256x256xf32, #tpu.memory_space<vmem>>, %arg3: memref<1x256xf32, #tpu.memory_space<vmem>>, %arg4: memref<512x256xf32, #tpu.memory_space<vmem>>) attributes {dimension_semantics = [#tpu.dimension_semantics<arbitrary>], iteration_bounds = array<i64: 16>, scalar_prefetch = 0 : i64, scratch_operands = 0 : i64, tpu.core_type = #tpu.core_type<tc>, window_params = [{transform_indices = @transform_0, window_bounds = array<i64: 512, 256>}, {pipeline_mode = #tpu.pipeline_mode<synchronous>, transform_indices = @transform_1, window_bounds = array<i64: 256, 256>}, {pipeline_mode = #tpu.pipeline_mode<synchronous>, transform_indices = @transform_2, window_bounds = array<i64: 1, 256>}, {transform_indices = @transform_3, window_bounds = array<i64: 512, 256>}]} {
    %get3A = arith.constant 0 : index
    %get3A_0 = arith.constant 0 : index
    %get3A_1 = vector.load %arg1[%get3A, %get3A_0] : memref<512x256xf32, #tpu.memory_space<vmem>>, vector<512x256xf32>
    %get3A_2 = arith.constant 0 : index
    %get3A_3 = arith.constant 0 : index
    %get3A_4 = vector.load %arg2[%get3A_2, %get3A_3] : memref<256x256xf32, #tpu.memory_space<vmem>>, vector<256x256xf32>
    %get3A_5 = arith.constant 0 : index
    %get3A_6 = arith.constant 0 : index
    %get3A_7 = vector.load %arg3[%get3A_5, %get3A_6] : memref<1x256xf32, #tpu.memory_space<vmem>>, vector<1x256xf32>
    %dot_general3A = arith.constant dense<0.000000e+00> : vector<512x256xf32>
    %dot_general3A_8 = tpu.matmul %get3A_1, %get3A_4, %dot_general3A {dimension_numbers = #tpu.dot_dimension_numbers<[1], [0], [0], [1], [0, 0, 1, 1], [], []>, transpose_lhs_hint = false} : vector<512x256xf32>, vector<256x256xf32>, vector<512x256xf32> -> vector<512x256xf32>
    %add3A = vector.broadcast %get3A_7 : vector<1x256xf32> to vector<512x256xf32>
    %add3A_9 = arith.addf %dot_general3A_8, %add3A : vector<512x256xf32>
    %max3A = arith.constant 0.000000e+00 : f32
    %max3A_10 = vector.broadcast %max3A : f32 to vector<512x256xf32>
    %max3A_11 = arith.maximumf %add3A_9, %max3A_10 : vector<512x256xf32>
    %swap3A = arith.constant 0 : index
    %swap3A_12 = arith.constant 0 : index
    %swap3A_13 = vector.load %arg4[%swap3A, %swap3A_12] : memref<512x256xf32, #tpu.memory_space<vmem>>, vector<512x256xf32>
    tpu.vector_store %arg4[%swap3A, %swap3A_12], %max3A_11 {strides = array<i32>} : memref<512x256xf32, #tpu.memory_space<vmem>>, vector<512x256xf32>,
    return
  }
  func.func @transform_0(%arg0: i32) -> (i32, i32) {
    %c0_i32 = arith.constant 0 : i32
    %c0_i32_0 = arith.constant 0 : i32
    return %arg0, %c0_i32 : i32, i32
  }
  func.func @transform_1(%arg0: i32) -> (i32, i32) {
    %c0_i32 = arith.constant 0 : i32
    %c0_i32_0 = arith.constant 0 : i32
    %c0_i32_1 = arith.constant 0 : i32
    return %c0_i32, %c0_i32_0 : i32, i32
  }
  func.func @transform_2(%arg0: i32) -> (i32, i32) {
    %c0_i32 = arith.constant 0 : i32
    %c0_i32_0 = arith.constant 0 : i32
    %c0_i32_1 = arith.constant 0 : i32
    return %c0_i32, %c0_i32_0 : i32, i32
  }
  func.func @transform_3(%arg0: i32) -> (i32, i32) {
    %c0_i32 = arith.constant 0 : i32
    %c0_i32_0 = arith.constant 0 : i32
    return %arg0, %c0_i32 : i32, i32
  }
}

module attributes {stable_mosaic.version = 14 : i64} {
  func.func @_mlp_kernel(%arg0: i32, %arg1: memref<512x512xf32, #tpu.memory_space<vmem>>, %arg2: memref<512x256xf32, #tpu.memory_space<vmem>>, %arg3: memref<1x256xf32, #tpu.memory_space<vmem>>, %arg4: memref<512x256xf32, #tpu.memory_space<vmem>>) attributes {dimension_semantics = [#tpu.dimension_semantics<arbitrary>], iteration_bounds = array<i64: 16>, scalar_prefetch = 0 : i64, scratch_operands = 0 : i64, tpu.core_type = #tpu.core_type<tc>, window_params = [{transform_indices = @transform_0, window_bounds = array<i64: 512, 512>}, {pipeline_mode = #tpu.pipeline_mode<synchronous>, transform_indices = @transform_1, window_bounds = array<i64: 512, 256>}, {pipeline_mode = #tpu.pipeline_mode<synchronous>, transform_indices = @transform_2, window_bounds = array<i64: 1, 256>}, {transform_indices = @transform_3, window_bounds = array<i64: 512, 256>}]} {
    %get3A = arith.constant 0 : index
    %get3A_0 = arith.constant 0 : index
    %get3A_1 = vector.load %arg1[%get3A, %get3A_0] : memref<512x512xf32, #tpu.memory_space<vmem>>, vector<512x512xf32>
    %get3A_2 = arith.constant 0 : index
    %get3A_3 = arith.constant 0 : index
    %get3A_4 = vector.load %arg2[%get3A_2, %get3A_3] : memref<512x256xf32, #tpu.memory_space<vmem>>, vector<512x256xf32>
    %get3A_5 = arith.constant 0 : index
    %get3A_6 = arith.constant 0 : index
    %get3A_7 = vector.load %arg3[%get3A_5, %get3A_6] : memref<1x256xf32, #tpu.memory_space<vmem>>, vector<1x256xf32>
    %dot_general3A = arith.constant dense<0.000000e+00> : vector<512x256xf32>
    %dot_general3A_8 = tpu.matmul %get3A_1, %get3A_4, %dot_general3A {dimension_numbers = #tpu.dot_dimension_numbers<[1], [0], [0], [1], [0, 0, 1, 1], [], []>, transpose_lhs_hint = false} : vector<512x512xf32>, vector<512x256xf32>, vector<512x256xf32> -> vector<512x256xf32>
    %add3A = vector.broadcast %get3A_7 : vector<1x256xf32> to vector<512x256xf32>
    %add3A_9 = arith.addf %dot_general3A_8, %add3A : vector<512x256xf32>
    %max3A = arith.constant 0.000000e+00 : f32
    %max3A_10 = vector.broadcast %max3A : f32 to vector<512x256xf32>
    %max3A_11 = arith.maximumf %add3A_9, %max3A_10 : vector<512x256xf32>
    %swap3A = arith.constant 0 : index
    %swap3A_12 = arith.constant 0 : index
    %swap3A_13 = vector.load %arg4[%swap3A, %swap3A_12] : memref<512x256xf32, #tpu.memory_space<vmem>>, vector<512x256xf32>
    tpu.vector_store %arg4[%swap3A, %swap3A_12], %max3A_11 {strides = array<i32>} : memref<512x256xf32, #tpu.memory_space<vmem>>, vector<512x256xf32>,
    return
  }
  func.func @transform_0(%arg0: i32) -> (i32, i32) {
    %c0_i32 = arith.constant 0 : i32
    %c0_i32_0 = arith.constant 0 : i32
    return %arg0, %c0_i32 : i32, i32
  }
  func.func @transform_1(%arg0: i32) -> (i32, i32) {
    %c0_i32 = arith.constant 0 : i32
    %c0_i32_0 = arith.constant 0 : i32
    %c0_i32_1 = arith.constant 0 : i32
    return %c0_i32, %c0_i32_0 : i32, i32
  }
  func.func @transform_2(%arg0: i32) -> (i32, i32) {
    %c0_i32 = arith.constant 0 : i32
    %c0_i32_0 = arith.constant 0 : i32
    %c0_i32_1 = arith.constant 0 : i32
    return %c0_i32, %c0_i32_0 : i32, i32
  }
  func.func @transform_3(%arg0: i32) -> (i32, i32) {
    %c0_i32 = arith.constant 0 : i32
    %c0_i32_0 = arith.constant 0 : i32
    return %arg0, %c0_i32 : i32, i32
  }
}

</mosaic_0001>

<sc_bundles>
// kernel: gather_offload_async_start.1
scs
__scs_entry_jumppad:
0x0: {  	(pc) =	sbr.rel $0x88, $3  }
0x1: {  	(tag) =	ssettag $0x0;
	lr =	simm.s32 $0x1  }
0x2: {  	[smem:$0x3F61] =	sst lr;
	_ =	strace $0xD0000000  }
0x3: {  	_ = 	snop  }
0x4: {  	_ = 	snop  }
0x5: {  	_ = 	snop  }
0x6: {  	_ = 	snop  }
0x7: {  	_ = 	snop  }
__scs_overlays_trampoline_lowered:
0x8: {  	[smem:$0x3F70] =	sst s0  }
0x9: {  	[smem:$0x3F71] =	sst s1  }
0xa: {  	[smem:$0x3F72] =	sst s2  }
0xb: {  	[smem:$0x3F73] =	sst s3  }
0xc: {  	[smem:$0x3F74] =	sst s4  }
0xd: {  	[smem:$0x3F75] =	sst s5  }
0xe: {  	[smem:$0x3F76] =	sst s6  }
0xf: {  	[smem:$0x3F77] =	sst s7  }
0x10: {  	[smem:$0x3F78] =	sst s8  }
0x11: {  	[smem:$0x3F79] =	sst s9;
	s0 =	simm.s32 @!p0 $0x0  }
0x12: {  	s1 =	sld [smem:$0x3F5F];
	s0 =	simm.s32 @p0 $0x1  }
0x13: {  	[smem:$0x3F7A] =	sst s0;
	s0 =	simm.s32 @!p1 $0x0  }
0x14: {  	s2 =	sld [smem:$0x3F5E];
	s0 =	simm.s32 @p1 $0x1  }
0x15: {  	[smem:$0x3F7B] =	sst s0;
	s0 =	simm.s32 @!p2 $0x0  }
0x16: {  	s3 =	sld [smem:$0x3FDB];
	s0 =	simm.s32 @p2 $0x1  }
0x17: {  	s4 =	simm.s32 $0x1BF5;
	[smem:$0x3F7D] =	sst s0  }
0x18: {  	s0 =	sld [smem:$0x3F60];
	_ =	swait.ge [sflag:s4], $0x0  }
0x19: {  	s7 =	sld [smem:$0x3F61]  }
0x1a: {  	s8 =	sadd.s32 $0xFFFFE003, lr  }
0x1b: {  	s9 =	sadd.s32 $0xFFFFFEF7, lr;
	s5 =	simm.s32 $0xFFFFFFFF;
	p2 =	slt.u32 s8, $0xFFFFF086  }
0x1c: {  	p1 =	slt.u32 s9, $0xF7A;
	s5 =	simm.s32 @!p2 $0x0  }
0x1d: {  	s5 =	simm.s32 @p1 $0x1;
	p0 =	seq.s32 s7, s2  }
0x1e: {  	s7 =	smul.u32 @!p0 $0xF7A, s2;
	p2 =	seq.s32 @!p0 s5, $0x0  }
0x1f: {  	s9 =	smul.u32 $0xF7A, s1;
	s8 =	simm.s32 @!p0 $0x1BF5;
	p2 =	por !p2, p0  }
0x20: {  	[sflag:s8] =	ssyncset.s32 @!p0 $0xFFFFF086;
	s6 =	sadd.s32 @!p0 s3, s7;
	s7 =	simm.s32 @!p0 $0x108  }
0x21: {  	s3 =	sadd.s32 s3, s9;
	s6 =	sadd.s32 @!p0 $0x88, s6;
	s7 =	simm.s32 @p2 $0x1082  }
0x22: {  	[simem:s7], [sflag:s8] =	dma.local @!p0 [hbm:s6], $0xF7A  }
0x23: {  	s9 =	sor.u32 $0xD0000000, s2;
	s6 =	simm.s32 $0x108;
	_ =	swait.ge @!p0 [sflag:s8], $0x0  }
0x24: {  	s3 =	sadd.s32 $0x88, s3;
	s6 =	simm.s32 @!p1 $0x1082;
	[sflag:s4] =	ssyncset.s32 $0xFFFFF086  }
0x25: {  	[simem:s6], [sflag:s4] =	dma.local [hbm:s3], $0xF7A  }
0x26: {  	[smem:$0x3F61] =	sst s1;
	(tag) =	ssettag s2;
	_ =	strace s9  }
0x27: {  	s1 =	sld [smem:$0x3F71]  }
0x28: {  	s2 =	sld [smem:$0x3F72]  }
0x29: {  	s4 =	sld [smem:$0x3F74]  }
0x2a: {  	p0 =	seq.s32 s5, $0x0;
	s5 =	sld [smem:$0x3F75]  }
0x2b: {  	s6 =	sld [smem:$0x3F76]  }
0x2c: {  	s7 =	sld [smem:$0x3F77]  }
0x2d: {  	s3 =	simm.s32 $0x108;
	s8 =	sld [smem:$0x3F78]  }
0x2e: {  	s3 =	simm.s32 @!p0 $0x1082;
	s9 =	sld [smem:$0x3F79]  }
0x2f: {  	lr =	sadd.s32 s0, s3;
	s0 =	sld [smem:$0x3F70]  }
0x30: {  	s3 =	sld [smem:$0x3F73]  }
0x31: {  	[smem:$0x3F7C] =	sst s10  }
0x32: {  	s10 =	sld [smem:$0x3F7A];
	_ =	sdelay $0x3  }
0x33: {  	p0 =	seq.s32 s10, $0x1;
	s10 =	sld [smem:$0x3F7C];
	_ =	sdelay $0x3  }
0x34: {  	[smem:$0x3F7C] =	sst s10  }
0x35: {  	s10 =	sld [smem:$0x3F7B];
	_ =	sdelay $0x3  }
0x36: {  	p1 =	seq.s32 s10, $0x1;
	s10 =	sld [smem:$0x3F7C];
	_ =	sdelay $0x3  }
0x37: {  	[smem:$0x3F7C] =	sst s10  }
0x38: {  	s10 =	sld [smem:$0x3F7D]  }
0x39: {  	_ = 	snop;
	(pc) =	sbr.ind lr, $3  }
0x3a: {  	_ = 	snop  }
0x3b: {  	_ = 	snop  }
0x3c: {  	p2 =	seq.s32 s10, $0x1;
	s10 =	sld [smem:$0x3F7C]  }
0x3d: {  	_ =	shalt  }
0x3e: {  	_ =	shalt  }
0x3f: {  	_ =	shalt  }
0x40: {  	_ =	shalt  }
0x41: {  	_ =	shalt  }
0x42: {  	_ =	shalt  }
0x43: {  	_ =	shalt  }
0x44: {  	_ =	shalt  }
0x45: {  	_ =	shalt  }
0x46: {  	_ =	shalt  }
0x47: {  	_ =	shalt  }
0x48: {  	_ =	shalt  }
0x49: {  	_ =	shalt  }
0x4a: {  	_ =	shalt  }
0x4b: {  	_ =	shalt  }
0x4c: {  	_ =	shalt  }
0x4d: {  	_ =	shalt  }
0x4e: {  	_ =	shalt  }
0x4f: {  	_ =	shalt  }
0x50: {  	_ =	shalt  }
0x51: {  	_ =	shalt  }
0x52: {  	_ =	shalt  }
0x53: {  	_ =	shalt  }
0x54: {  	_ =	shalt  }
0x55: {  	_ =	shalt  }
0x56: {  	_ =	shalt  }
0x57: {  	_ =	shalt  }
0x58: {  	_ =	shalt  }
0x59: {  	_ =	shalt  }
0x5a: {  	_ =	shalt  }
0x5b: {  	_ =	shalt  }
0x5c: {  	_ =	shalt  }
0x5d: {  	_ =	shalt  }
0x5e: {  	_ =	shalt  }
0x5f: {  	_ =	shalt  }
0x60: {  	_ =	shalt  }
0x61: {  	_ =	shalt  }
0x62: {  	_ =	shalt  }
0x63: {  	_ =	shalt  }
0x64: {  	_ =	shalt  }
0x65: {  	_ =	shalt  }
0x66: {  	_ =	shalt  }
0x67: {  	_ =	shalt  }
0x68: {  	_ =	shalt  }
0x69: {  	_ =	shalt  }
0x6a: {  	_ =	shalt  }
0x6b: {  	_ =	shalt  }
0x6c: {  	_ =	shalt  }
0x6d: {  	_ =	shalt  }
0x6e: {  	_ =	shalt  }
0x6f: {  	_ =	shalt  }
0x70: {  	_ =	shalt  }
0x71: {  	_ =	shalt  }
0x72: {  	_ =	shalt  }
0x73: {  	_ =	shalt  }
0x74: {  	_ =	shalt  }
0x75: {  	_ =	shalt  }
0x76: {  	_ =	shalt  }
0x77: {  	_ =	shalt  }
0x78: {  	_ =	shalt  }
0x79: {  	_ =	shalt  }
0x7a: {  	_ =	shalt  }
0x7b: {  	_ =	shalt  }
0x7c: {  	_ =	shalt  }
0x7d: {  	_ =	shalt  }
0x7e: {  	_ =	shalt  }
0x7f: {  	_ =	shalt  }
0x80: {  	_ =	shalt  }
0x81: {  	_ =	shalt  }
0x82: {  	_ =	shalt  }
0x83: {  	_ =	shalt  }
0x84: {  	_ =	shalt  }
0x85: {  	_ =	shalt  }
0x86: {  	_ =	shalt  }
0x87: {  	_ =	shalt  }
.Lfunc_end0:
.L_simem_size_0:
called_computation.6_lowered:
.L_overlay_start_0:
0x88: {  	s2 =	sld [smem:$0x3FD9]  }
0x89: {  	s3 =	sld [smem:$0x3FFE];
	_ =	sdelay $0x1  }
0x8a: {  	s1 =	srdreg.scid  }
0x8b: {  	s0 =	sand.u32 $0x1, s1  }
0x8c: {  	s16 =	sshll.u32 s0, $0xA;
	s2 =	sadd.s32 s3, s2  }
0x8d: {  	s2 =	sadd.s32 s2, s16  }
0x8e: {  	[smem:$0x3F88] =	sst s2  }
0x8f: {  	_ = 	snop  }
0x90: {  	(tm) =	ssettm $0x1  }
0x91: {  	s17 =	sld [smem:$0x3FFB];
	_ =	sdelay $0x3  }
0x92: {  	_ =	strace s17  }
0x93: {  	s2 =	sld [smem:$0x3FFC];
	_ =	sdelay $0x3  }
0x94: {  	_ =	strace s2  }
0x95: {  	s2 =	sld [smem:$0x3FFD];
	_ =	sdelay $0x3  }
0x96: {  	_ =	strace s2  }
0x97: {  	_ =	strace $0x8FFFFFFF  }
0x98: {  	s18 =	sld [smem:$0x3FDB];
	_ =	sdelay $0x1  }
0x99: {  	s19 =	simm.s32 $_scs_section_size  }
0x9a: {  	s4 =	simm.s32 $_size__tile_overlayer_lowered;
	s5 =	simm.s32 $_tile_overlayer_lowered  }
0x9b: {  	s22 =	simm.s32 $0x1BFF;
	s21 =	sshll.u32 s5, $0x1;
	s2 =	sadd.s32 s19, s18  }
0x9c: {  	s6 =	simm.s32 $0x0;
	s20 =	sshll.u32 s4, $0x1;
	s4 =	sadd.s32 s21, s2  }
0x9d: {  	[timem:s6], [sflag:s22] =	dma.local [hbm:s4], s20  }
0x9e: {  	_ =	swait.ge [sflag:s22], s20  }
0x9f: {  	s3 =	ssub.s32 $0x0, s20;
	[sflag:s22] =	ssyncset.done $0x0  }
0xa0: {  	[sflag:s22] =	ssyncadd.s32 s3;
	_ =	sdelay $0x1  }
0xa1: {  	s23 =	simm.s32 $0x1B8B  }
0xa2: {  	_ =	swait.ge [sflag:s23], $0x1  }
0xa3: {  	[sflag:s23] =	ssyncset.done $0x0  }
0xa4: {  	s25 =	simm.s32 $0x1B8E;
	s24 =	sld [smem:$0x3FFE];
	[sflag:s23] =	ssyncadd.s32 $0xFFFFFFFF  }
0xa5: {  	s26 =	simm.s32 $execute0_lowered;
	[smem:$0x3FD2] =	sst s25  }
0xa6: {  	s4 =	sshll.u32 s26, $0x1;
	_ =	strace $0x80000049;
	[dreg:$0x1] =	wrdreg $0xFFFFFFFF  }
0xa7: {  	s28 =	simm.s32 $_size_execute0_lowered;
	s2 =	sadd.s32 s2, s4;
	[dreg:$0x0] =	wrdreg $0x0  }
0xa8: {  	s4 =	sshll.u32 s28, $0x1;
	[dreg:$0x2] =	wrdreg s2  }
0xa9: {  	[dreg:$0x3] =	wrdreg s4  }
0xaa: {  	[dreg:$0x4] =	wrdreg $0xC0  }
0xab: {  	_ =	task [dreg:s6], $0x5FFFF  }
0xac: {  	[dreg:$0x1] =	wrdreg $0xFFFFFFFF  }
0xad: {  	[dreg:$0x0] =	wrdreg $0x60  }
0xae: {  	[dreg:$0x2] =	wrdreg s24  }
0xaf: {  	[dreg:$0x3] =	wrdreg $0x9  }
0xb0: {  	_ =	task.clear_ibuf [dreg:s6], $0x4FFFF;
	_ =	strace $0x90000049  }
0xb1: {  	s29 =	simm.s32 $0x9;
	_ =	strace $0x8000004B  }
0xb2: {  	_ =	swait.ge [sflag:s29], $0x1  }
0xb3: {  	[sflag:s29] =	ssyncadd.s32 $0xFFFFFFFF  }
0xb4: {  	_ =	strace $0x9000004B  }
0xb5: {  	_ =	sfence  }
0xb6: {  	s30 =	sld [smem:$0x0];
	_ =	sdelay $0x2  }
0xb7: {  	s31 =	sshll.u32 s1, $0xD;
	s1 =	sshrl.u32 s1, $0x2  }
0xb8: {  	s3 =	sand.u32 $0x4000, s31;
	s1 =	sadd.s32 s1, s30  }
0xb9: {  	s0 =	sor.u32 s3, s0;
	s1 =	sshll.u32 s1, $0x11  }
0xba: {  	s0 =	sor.u32 s1, s0  }
0xbb: {  	s0 =	sadd.s32 $0x8F2B, s0  }
0xbc: {  	[sflag:s0] =	ssyncadd.remote.s32 $0x1  }
0xbd: {  	_ =	sfence.sel $0xFFFF  }
0xbe: {  	[dreg:$0x0] =	wrdreg $0xFFFFFFFF;
	(pc) =	sbr.abs _section_cstart, $3  }
0xbf: {  	[dreg:$0x1] =	wrdreg $0xFFFFFFFF  }
0xc0: {  	_ =	task.clear_ibuf [dreg:s6], $0x2FFFF;
	_ =	strace $0x9FFFFFFF  }
0xc1: {  	(tm) =	ssettm $0x7FFFFFFF  }
tec
execute0_lowered:
.L_overlay_start_1:
0x0: {  	(tag) =	ssettag $0x1  }
0x1: {  	s7 =	rddreg [dreg:$0x0]  }
0x2: {  	s0 =	rddreg [dreg:$0x1];
	_ =	strace $0x8000004A  }
0x3: {  	s1 =	srdreg.scid;
	s4 =	simm.s32 $0x1;
	s9 =	simm.s32 $0x3  }
0x4: {  	s12 =	simm.s32 $0x0;
	s10 =	simm.s32 $0x0;
	s5 =	sshll.u32 s1, $0x4  }
.Ltmp0:
0x5: {  	s1 =	stileid.u32;
	s5 =	sand.u32 $0x10, s5;
	(pc) =	sbr.rel .LBB2_1-.Ltmp0, $4  }
0x6: {  	s2 =	sadd.s32 $0x36C00, s7;
	s3 =	sadd.s32 $0x57000, s7;
	s6 =	sor.u32 s1, s5  }
0x7: {  	[sflag:s4] =	ssyncpa.u1 $0x0;
	s5 =	simm.s32 $0x2;
	s6 =	sshll.u32 s6, $0x7  }
0x8: {  	s7 =	sadd.s32 $0x8D8800, s7;
	[sflag:s5] =	ssyncpa.u1 $0x0;
	s8 =	sadd.s32 $0x80, s6  }
0x9: {  	v0 =	vimm.s32 $0x0;
	vm0 =	vmmov $0xff;
	vm1 =	vcmask $0x3F20;
	[sflag:s9] =	ssyncpa.u1 $0x0;
	s9 =	simm.s32 $0x80;
	s11 =	smov.u32 s6  }
.LBB2_9:
0xa: {  	p0 =	seq.s32 s10, $0x2  }
.Ltmp1:
0xb: {  	_ = 	snop;
	(pc) =	sbr.rel @p0 .LBB2_11-.Ltmp1, $1  }
0xc: {  	_ =	sdelay $0x3  }
.LBB2_10:
0xd: {  	s12 =	sadd.s32 $0x80, s11  }
0xe: {  	s13 =	smov.u32 s6;
	p0 =	slt.s32 s12, s8  }
0xf: {  	s13 =	smov.u32 @p0 s12  }
0x10: {  	s10 =	sadd.s32 $0x1, s10;
	s12 =	smov.u32 s11;
	s11 =	smov.u32 s13  }
.LBB2_1:
0x11: {  	p0 =	sne.s32 s10, $0x0  }
.Ltmp2:
0x12: {  	_ = 	snop;
	(pc) =	sbr.rel @!p0 .LBB2_2-.Ltmp2, $1  }
0x13: {  	_ =	sdelay $0x3  }
0x14: {  	s13 =	sand.u32 $0x1, s10  }
0x15: {  	p0 =	seq.s32 s13, $0x0  }
.Ltmp3:
0x16: {  	_ = 	snop;
	(pc) =	sbr.rel @p0 .LBB2_9-.Ltmp3, $1  }
0x17: {  	_ =	sdelay $0x3  }
0x18: {  	_ =	swait.ge [sflag:s5], $0x80  }
0x19: {  	[sflag:s5] =	ssyncset.done $0x0  }
0x1a: {  	s13 =	simm.s32 $0x0;
	[sflag:s5] =	ssyncadd.s32 $0xFFFFFF80  }
0x1b: {  	v1 =	vld.msk [tilespmem:s13+$0x80 ss:$0x1], $0xffff;
	_ =	sdelay $0x4  }
0x1c: {  	v2 =	vshll.u32 v1, $0x7  }
0x1d: {  	vm2 =	veq.s32 v1, $0x80000000;
	v1 =	vand.u32 $0xFFF80, v2  }
0x1e: {  	v2 =	vsel vm2, $0xFFFFFFFF, v0;
	v1 =	vsel vm2, $0xFFFFFF80, v1  }
0x1f: {  	v2 =	vshll.u32 v2, $0x14;
	v3 =	vand.u32 $0xFFFFFC00, v1  }
0x20: {  	v1 =	vand.u32 $0x380, v1;
	v2 =	vadd.s32 v2, v3  }
0x21: {  	v1 =	vor.u32 v1, v2  }
0x22: {  	v1 =	vshrl.u32 v1, $0x3;
	_ =	sdelay $0x3  }
0x23: {  	s13 =	simm.s32 $0x4100  }
0x24: {  	[tilespmem:s13], [sflag:$0x1] =	stream.indirect_vreg.gather [hbm:s2], $0x80, v1, vm0, $0x38;
	[tilespmem:$0x8100] =	vst v63  }
0x25: {  	s14 =	simm.s32 $0x4500;
	s31 =	simm.s32 $0x10  }
0x26: {  	[tilespmem:s14], [sflag:$0x1] =	stream.indirect_vreg.gather [hbm:s2], $0x80, v1, vm1, $0x38;
	[tilespmem:$0x8100] =	vst v63  }
0x27: {  	s14 =	simm.s32 $0x80;
	v1 =	vld.msk [tilespmem:s31+$0x80 ss:$0x1], $0xffff  }
.LBB2_5:
0x28: {  	p0 =	sne.s32 s14, $0x1C0;
	_ =	sdelay $0x4  }
0x29: {  	v2 =	vshll.u32 v1, $0x7  }
0x2a: {  	vm2 =	veq.s32 v1, $0x80000000;
	v1 =	vand.u32 $0xFFF80, v2  }
0x2b: {  	v2 =	vsel vm2, $0xFFFFFFFF, v0;
	v1 =	vsel vm2, $0xFFFFFF80, v1  }
0x2c: {  	v2 =	vshll.u32 v2, $0x14;
	v3 =	vand.u32 $0xFFFFFC00, v1  }
0x2d: {  	v1 =	vand.u32 $0x380, v1;
	v2 =	vadd.s32 v2, v3  }
0x2e: {  	v1 =	vor.u32 v1, v2  }
0x2f: {  	v1 =	vshrl.u32 v1, $0x3;
	_ =	sdelay $0x3  }
.Ltmp4:
0x30: {  	s13 =	sadd.s32 $0x800, s13;
	(pc) =	sbr.rel @p0 .LBB2_5-.Ltmp4, $4  }
0x31: {  	[tilespmem:s13], [sflag:$0x1] =	stream.indirect_vreg.gather [hbm:s2], $0x80, v1, vm0, $0x38;
	[tilespmem:$0x8100] =	vst v63  }
0x32: {  	s15 =	sshra.s32 s14, $0x2;
	s16 =	sadd.s32 $0x400, s13  }
0x33: {  	[tilespmem:s16], [sflag:$0x1] =	stream.indirect_vreg.gather [hbm:s2], $0x80, v1, vm1, $0x38;
	[tilespmem:$0x8100] =	vst v63  }
0x34: {  	s14 =	sadd.s32 $0x40, s14;
	v1 =	vld.msk [tilespmem:s15+$0x80 ss:$0x1], $0xffff  }
0x35: {  	_ =	sdelay $0x3  }
0x36: {  	v2 =	vshll.u32 v1, $0x7  }
0x37: {  	vm2 =	veq.s32 v1, $0x80000000;
	v1 =	vand.u32 $0xFFF80, v2  }
0x38: {  	v2 =	vsel vm2, $0xFFFFFFFF, v0;
	v1 =	vsel vm2, $0xFFFFFF80, v1  }
0x39: {  	v2 =	vshll.u32 v2, $0x14;
	v3 =	vand.u32 $0xFFFFFC00, v1  }
0x3a: {  	v1 =	vand.u32 $0x380, v1;
	v2 =	vadd.s32 v2, v3  }
0x3b: {  	v1 =	vor.u32 v1, v2  }
0x3c: {  	v1 =	vshrl.u32 v1, $0x3;
	_ =	sdelay $0x3  }
0x3d: {  	s13 =	sadd.s32 $0x800, s13  }
0x3e: {  	[tilespmem:s13], [sflag:$0x1] =	stream.indirect_vreg.gather [hbm:s2], $0x80, v1, vm0, $0x38;
	[tilespmem:$0x8100] =	vst v63  }
0x3f: {  	s13 =	sadd.s32 $0x400, s13  }
0x40: {  	[tilespmem:s13], [sflag:$0x1] =	stream.indirect_vreg.gather [hbm:s2], $0x80, v1, vm1, $0x38;
	[tilespmem:$0x8100] =	vst v63  }
0x41: {  	s12 =	sshll.u32 s12, $0x4;
	s14 =	simm.s32 $0x80;
	_ =	swait.ge [sflag:s4], $0x4000  }
0x42: {  	s15 =	simm.s32 $0x4500;
	s12 =	sadd.s32 s12, s7;
	[sflag:s4] =	ssyncset.done $0x0  }
0x43: {  	s16 =	sadd.s32 $0x0, s12;
	s13 =	simm.s32 $0x4100;
	[sflag:s4] =	ssyncadd.s32 $0xFFFFC000  }
.LBB2_7:
0x44: {  	[hbm:s16] =	stream.linear.scatter [tilespmem:s13], [sflag:$0x3], $0x400, $0x38;
	[tilespmem:$0x8100] =	vst v63  }
0x45: {  	s16 =	smov.u32 s14;
	s13 =	smov.u32 s15;
	p0 =	sne.s32 s14, $0x780  }
.Ltmp5:
0x46: {  	s14 =	sadd.s32 $0x80, s14;
	(pc) =	sbr.rel @p0 .LBB2_7-.Ltmp5, $2  }
0x47: {  	_ =	sdelay $0x2  }
0x48: {  	s15 =	sadd.s32 $0x400, s15;
	s16 =	sadd.s32 s16, s12  }
.Ltmp6:
0x49: {  	(pc) =	sbr.rel .LBB2_9-.Ltmp6, $2  }
0x4a: {  	_ =	sdelay $0x2  }
0x4b: {  	[hbm:s16] =	stream.linear.scatter [tilespmem:s13], [sflag:$0x3], $0x400, $0x38;
	[tilespmem:$0x8100] =	vst v63  }
.LBB2_2:
.Ltmp7:
0x4c: {  	(pc) =	sbr.rel .LBB2_10-.Ltmp7, $4  }
0x4d: {  	_ = 	snop  }
0x4e: {  	s12 =	sshrl.u32 s11, $0x3  }
0x4f: {  	s13 =	sand.u32 $0x7, s11;
	s12 =	sadd.s32 s3, s12  }
0x50: {  	[tilespmem:s9], [sflag:$0x2] =	stream.linear.gather [hbm4b:s12+s13], $0x80, $0x38;
	[tilespmem:$0x8100] =	vst v63  }
.LBB2_11:
0x51: {  	s2 =	simm.s32 $0x3  }
0x52: {  	_ =	swait.ge [sflag:s2], $0x4000  }
0x53: {  	[sflag:s2] =	ssyncset.done $0x0  }
0x54: {  	[sflag:s2] =	ssyncadd.s32 $0xFFFFC000  }
0x55: {  	_ =	sfence.sel $0x180000  }
0x56: {  	s3 =	simm.s32 $0x2;
	[bflag:$0x0] =	sbarrier.arrive $0xFFFF  }
0x57: {  	[sflag:s3] =	ssyncpa.u1 $0x1  }
0x58: {  	s31 =	simm.s32 $0x1;
	[sflag:s2] =	ssyncpa.u1 $0x1  }
0x59: {  	[sflag:s31] =	ssyncpa.u1 $0x1  }
0x5a: {  	p0 =	sne.s32 s1, $0x0;
	_ =	strace $0x9000004A  }
0x5b: {  	s0 =	sadd.s32 @!p0 $0x100000, s0;
	[bflag:$0x2] =	sbarrier.arrive $0xFFFF  }
0x5c: {  	[sflag:s0] =	ssyncadd.tile.s32 @!p0 $0x1;
	_ =	shalt  }
.Lfunc_end2:
_tile_overlayer_lowered:
.L_overlay_start_2:
0x5d: {  	(tag) =	ssettag $0x2  }
0x5e: {  	s0 =	rddreg [dreg:$0x0];
	s2 =	stileid.u32  }
0x5f: {  	s1 =	rddreg [dreg:$0x1];
	p0 =	sne.s32 s2, $0x0  }
0x60: {  	s3 =	rddreg [dreg:$0x2];
	[bflag:$0x3] =	sbarrier.arrive $0xFFFF;
	s2 =	simm.s32 @!p0 $0x1C01  }
0x61: {  	[timem:s3], [sflag:s2] =	dma.local @!p0 [hbm:s0], s1  }
0x62: {  	s0 =	simm.s32 @!p0 $0x1  }
0x63: {  	_ =	swait.ge @!p0 [sflag:s0], s1  }
0x64: {  	s1 =	ssub.s32 @!p0 $0x0, s1;
	[sflag:s0] =	ssyncset.done @!p0 $0x0  }
0x65: {  	[sflag:s0] =	ssyncadd.s32 @!p0 s1  }
0x66: {  	[bflag:$0x3] =	sbarrier.arrive $0xFFFF  }
0x67: {  	_ =	shalt  }

// kernel: gather_offload_async_start.2
scs
__scs_entry_jumppad:
0x0: {  	(pc) =	sbr.rel $0x88, $3  }
0x1: {  	(tag) =	ssettag $0x0;
	lr =	simm.s32 $0x1  }
0x2: {  	[smem:$0x3F61] =	sst lr;
	_ =	strace $0xD0000000  }
0x3: {  	_ = 	snop  }
0x4: {  	_ = 	snop  }
0x5: {  	_ = 	snop  }
0x6: {  	_ = 	snop  }
0x7: {  	_ = 	snop  }
__scs_overlays_trampoline_lowered:
0x8: {  	[smem:$0x3F70] =	sst s0  }
0x9: {  	[smem:$0x3F71] =	sst s1  }
0xa: {  	[smem:$0x3F72] =	sst s2  }
0xb: {  	[smem:$0x3F73] =	sst s3  }
0xc: {  	[smem:$0x3F74] =	sst s4  }
0xd: {  	[smem:$0x3F75] =	sst s5  }
0xe: {  	[smem:$0x3F76] =	sst s6  }
0xf: {  	[smem:$0x3F77] =	sst s7  }
0x10: {  	[smem:$0x3F78] =	sst s8  }
0x11: {  	[smem:$0x3F79] =	sst s9;
	s0 =	simm.s32 @!p0 $0x0  }
0x12: {  	s1 =	sld [smem:$0x3F5F];
	s0 =	simm.s32 @p0 $0x1  }
0x13: {  	[smem:$0x3F7A] =	sst s0;
	s0 =	simm.s32 @!p1 $0x0  }
0x14: {  	s2 =	sld [smem:$0x3F5E];
	s0 =	simm.s32 @p1 $0x1  }
0x15: {  	[smem:$0x3F7B] =	sst s0;
	s0 =	simm.s32 @!p2 $0x0  }
0x16: {  	s3 =	sld [smem:$0x3FDB];
	s0 =	simm.s32 @p2 $0x1  }
0x17: {  	s4 =	simm.s32 $0x1BF5;
	[smem:$0x3F7D] =	sst s0  }
0x18: {  	s0 =	sld [smem:$0x3F60];
	_ =	swait.ge [sflag:s4], $0x0  }
0x19: {  	s7 =	sld [smem:$0x3F61]  }
0x1a: {  	s8 =	sadd.s32 $0xFFFFE003, lr  }
0x1b: {  	s9 =	sadd.s32 $0xFFFFFEF7, lr;
	s5 =	simm.s32 $0xFFFFFFFF;
	p2 =	slt.u32 s8, $0xFFFFF086  }
0x1c: {  	p1 =	slt.u32 s9, $0xF7A;
	s5 =	simm.s32 @!p2 $0x0  }
0x1d: {  	s5 =	simm.s32 @p1 $0x1;
	p0 =	seq.s32 s7, s2  }
0x1e: {  	s7 =	smul.u32 @!p0 $0xF7A, s2;
	p2 =	seq.s32 @!p0 s5, $0x0  }
0x1f: {  	s9 =	smul.u32 $0xF7A, s1;
	s8 =	simm.s32 @!p0 $0x1BF5;
	p2 =	por !p2, p0  }
0x20: {  	[sflag:s8] =	ssyncset.s32 @!p0 $0xFFFFF086;
	s6 =	sadd.s32 @!p0 s3, s7;
	s7 =	simm.s32 @!p0 $0x108  }
0x21: {  	s3 =	sadd.s32 s3, s9;
	s6 =	sadd.s32 @!p0 $0x88, s6;
	s7 =	simm.s32 @p2 $0x1082  }
0x22: {  	[simem:s7], [sflag:s8] =	dma.local @!p0 [hbm:s6], $0xF7A  }
0x23: {  	s9 =	sor.u32 $0xD0000000, s2;
	s6 =	simm.s32 $0x108;
	_ =	swait.ge @!p0 [sflag:s8], $0x0  }
0x24: {  	s3 =	sadd.s32 $0x88, s3;
	s6 =	simm.s32 @!p1 $0x1082;
	[sflag:s4] =	ssyncset.s32 $0xFFFFF086  }
0x25: {  	[simem:s6], [sflag:s4] =	dma.local [hbm:s3], $0xF7A  }
0x26: {  	[smem:$0x3F61] =	sst s1;
	(tag) =	ssettag s2;
	_ =	strace s9  }
0x27: {  	s1 =	sld [smem:$0x3F71]  }
0x28: {  	s2 =	sld [smem:$0x3F72]  }
0x29: {  	s4 =	sld [smem:$0x3F74]  }
0x2a: {  	p0 =	seq.s32 s5, $0x0;
	s5 =	sld [smem:$0x3F75]  }
0x2b: {  	s6 =	sld [smem:$0x3F76]  }
0x2c: {  	s7 =	sld [smem:$0x3F77]  }
0x2d: {  	s3 =	simm.s32 $0x108;
	s8 =	sld [smem:$0x3F78]  }
0x2e: {  	s3 =	simm.s32 @!p0 $0x1082;
	s9 =	sld [smem:$0x3F79]  }
0x2f: {  	lr =	sadd.s32 s0, s3;
	s0 =	sld [smem:$0x3F70]  }
0x30: {  	s3 =	sld [smem:$0x3F73]  }
0x31: {  	[smem:$0x3F7C] =	sst s10  }
0x32: {  	s10 =	sld [smem:$0x3F7A];
	_ =	sdelay $0x3  }
0x33: {  	p0 =	seq.s32 s10, $0x1;
	s10 =	sld [smem:$0x3F7C];
	_ =	sdelay $0x3  }
0x34: {  	[smem:$0x3F7C] =	sst s10  }
0x35: {  	s10 =	sld [smem:$0x3F7B];
	_ =	sdelay $0x3  }
0x36: {  	p1 =	seq.s32 s10, $0x1;
	s10 =	sld [smem:$0x3F7C];
	_ =	sdelay $0x3  }
0x37: {  	[smem:$0x3F7C] =	sst s10  }
0x38: {  	s10 =	sld [smem:$0x3F7D]  }
0x39: {  	_ = 	snop;
	(pc) =	sbr.ind lr, $3  }
0x3a: {  	_ = 	snop  }
0x3b: {  	_ = 	snop  }
0x3c: {  	p2 =	seq.s32 s10, $0x1;
	s10 =	sld [smem:$0x3F7C]  }
0x3d: {  	_ =	shalt  }
0x3e: {  	_ =	shalt  }
0x3f: {  	_ =	shalt  }
0x40: {  	_ =	shalt  }
0x41: {  	_ =	shalt  }
0x42: {  	_ =	shalt  }
0x43: {  	_ =	shalt  }
0x44: {  	_ =	shalt  }
0x45: {  	_ =	shalt  }
0x46: {  	_ =	shalt  }
0x47: {  	_ =	shalt  }
0x48: {  	_ =	shalt  }
0x49: {  	_ =	shalt  }
0x4a: {  	_ =	shalt  }
0x4b: {  	_ =	shalt  }
0x4c: {  	_ =	shalt  }
0x4d: {  	_ =	shalt  }
0x4e: {  	_ =	shalt  }
0x4f: {  	_ =	shalt  }
0x50: {  	_ =	shalt  }
0x51: {  	_ =	shalt  }
0x52: {  	_ =	shalt  }
0x53: {  	_ =	shalt  }
0x54: {  	_ =	shalt  }
0x55: {  	_ =	shalt  }
0x56: {  	_ =	shalt  }
0x57: {  	_ =	shalt  }
0x58: {  	_ =	shalt  }
0x59: {  	_ =	shalt  }
0x5a: {  	_ =	shalt  }
0x5b: {  	_ =	shalt  }
0x5c: {  	_ =	shalt  }
0x5d: {  	_ =	shalt  }
0x5e: {  	_ =	shalt  }
0x5f: {  	_ =	shalt  }
0x60: {  	_ =	shalt  }
0x61: {  	_ =	shalt  }
0x62: {  	_ =	shalt  }
0x63: {  	_ =	shalt  }
0x64: {  	_ =	shalt  }
0x65: {  	_ =	shalt  }
0x66: {  	_ =	shalt  }
0x67: {  	_ =	shalt  }
0x68: {  	_ =	shalt  }
0x69: {  	_ =	shalt  }
0x6a: {  	_ =	shalt  }
0x6b: {  	_ =	shalt  }
0x6c: {  	_ =	shalt  }
0x6d: {  	_ =	shalt  }
0x6e: {  	_ =	shalt  }
0x6f: {  	_ =	shalt  }
0x70: {  	_ =	shalt  }
0x71: {  	_ =	shalt  }
0x72: {  	_ =	shalt  }
0x73: {  	_ =	shalt  }
0x74: {  	_ =	shalt  }
0x75: {  	_ =	shalt  }
0x76: {  	_ =	shalt  }
0x77: {  	_ =	shalt  }
0x78: {  	_ =	shalt  }
0x79: {  	_ =	shalt  }
0x7a: {  	_ =	shalt  }
0x7b: {  	_ =	shalt  }
0x7c: {  	_ =	shalt  }
0x7d: {  	_ =	shalt  }
0x7e: {  	_ =	shalt  }
0x7f: {  	_ =	shalt  }
0x80: {  	_ =	shalt  }
0x81: {  	_ =	shalt  }
0x82: {  	_ =	shalt  }
0x83: {  	_ =	shalt  }
0x84: {  	_ =	shalt  }
0x85: {  	_ =	shalt  }
0x86: {  	_ =	shalt  }
0x87: {  	_ =	shalt  }
.Lfunc_end0:
.L_simem_size_0:
called_computation.7_lowered:
.L_overlay_start_0:
0x88: {  	s2 =	sld [smem:$0x3FD9]  }
0x89: {  	s3 =	sld [smem:$0x3FFE];
	_ =	sdelay $0x1  }
0x8a: {  	s1 =	srdreg.scid  }
0x8b: {  	s0 =	sand.u32 $0x1, s1  }
0x8c: {  	s16 =	sshll.u32 s0, $0xA;
	s2 =	sadd.s32 s3, s2  }
0x8d: {  	s2 =	sadd.s32 s2, s16  }
0x8e: {  	[smem:$0x3F88] =	sst s2  }
0x8f: {  	_ = 	snop  }
0x90: {  	(tm) =	ssettm $0x1  }
0x91: {  	s17 =	sld [smem:$0x3FFB];
	_ =	sdelay $0x3  }
0x92: {  	_ =	strace s17  }
0x93: {  	s2 =	sld [smem:$0x3FFC];
	_ =	sdelay $0x3  }
0x94: {  	_ =	strace s2  }
0x95: {  	s2 =	sld [smem:$0x3FFD];
	_ =	sdelay $0x3  }
0x96: {  	_ =	strace s2  }
0x97: {  	_ =	strace $0x8FFFFFFF  }
0x98: {  	s18 =	sld [smem:$0x3FDB];
	_ =	sdelay $0x1  }
0x99: {  	s19 =	simm.s32 $_scs_section_size  }
0x9a: {  	s4 =	simm.s32 $_size__tile_overlayer_lowered;
	s5 =	simm.s32 $_tile_overlayer_lowered  }
0x9b: {  	s22 =	simm.s32 $0x1BFF;
	s21 =	sshll.u32 s5, $0x1;
	s2 =	sadd.s32 s19, s18  }
0x9c: {  	s6 =	simm.s32 $0x0;
	s20 =	sshll.u32 s4, $0x1;
	s4 =	sadd.s32 s21, s2  }
0x9d: {  	[timem:s6], [sflag:s22] =	dma.local [hbm:s4], s20  }
0x9e: {  	_ =	swait.ge [sflag:s22], s20  }
0x9f: {  	s3 =	ssub.s32 $0x0, s20;
	[sflag:s22] =	ssyncset.done $0x0  }
0xa0: {  	[sflag:s22] =	ssyncadd.s32 s3;
	_ =	sdelay $0x1  }
0xa1: {  	s23 =	simm.s32 $0x1B8B  }
0xa2: {  	_ =	swait.ge [sflag:s23], $0x1  }
0xa3: {  	[sflag:s23] =	ssyncset.done $0x0  }
0xa4: {  	s25 =	simm.s32 $0x1B8E;
	s24 =	sld [smem:$0x3FFE];
	[sflag:s23] =	ssyncadd.s32 $0xFFFFFFFF  }
0xa5: {  	s26 =	simm.s32 $execute0_lowered;
	[smem:$0x3FD2] =	sst s25  }
0xa6: {  	s4 =	sshll.u32 s26, $0x1;
	_ =	strace $0x8000004C;
	[dreg:$0x1] =	wrdreg $0xFFFFFFFF  }
0xa7: {  	s28 =	simm.s32 $_size_execute0_lowered;
	s2 =	sadd.s32 s2, s4;
	[dreg:$0x0] =	wrdreg $0x0  }
0xa8: {  	s4 =	sshll.u32 s28, $0x1;
	[dreg:$0x2] =	wrdreg s2  }
0xa9: {  	[dreg:$0x3] =	wrdreg s4  }
0xaa: {  	[dreg:$0x4] =	wrdreg $0xC0  }
0xab: {  	_ =	task [dreg:s6], $0x5FFFF  }
0xac: {  	[dreg:$0x1] =	wrdreg $0xFFFFFFFF  }
0xad: {  	[dreg:$0x0] =	wrdreg $0x60  }
0xae: {  	[dreg:$0x2] =	wrdreg s24  }
0xaf: {  	[dreg:$0x3] =	wrdreg $0x9  }
0xb0: {  	_ =	task.clear_ibuf [dreg:s6], $0x4FFFF;
	_ =	strace $0x9000004C  }
0xb1: {  	s29 =	simm.s32 $0x9;
	_ =	strace $0x8000004E  }
0xb2: {  	_ =	swait.ge [sflag:s29], $0x1  }
0xb3: {  	[sflag:s29] =	ssyncadd.s32 $0xFFFFFFFF  }
0xb4: {  	_ =	strace $0x9000004E  }
0xb5: {  	_ =	sfence  }
0xb6: {  	s30 =	sld [smem:$0x0];
	_ =	sdelay $0x2  }
0xb7: {  	s31 =	sshll.u32 s1, $0xD;
	s1 =	sshrl.u32 s1, $0x2  }
0xb8: {  	s3 =	sand.u32 $0x4000, s31;
	s1 =	sadd.s32 s1, s30  }
0xb9: {  	s0 =	sor.u32 s3, s0;
	s1 =	sshll.u32 s1, $0x11  }
0xba: {  	s0 =	sor.u32 s1, s0  }
0xbb: {  	s0 =	sadd.s32 $0x8F2B, s0  }
0xbc: {  	[sflag:s0] =	ssyncadd.remote.s32 $0x1  }
0xbd: {  	_ =	sfence.sel $0xFFFF  }
0xbe: {  	[dreg:$0x0] =	wrdreg $0xFFFFFFFF;
	(pc) =	sbr.abs _section_cstart, $3  }
0xbf: {  	[dreg:$0x1] =	wrdreg $0xFFFFFFFF  }
0xc0: {  	_ =	task.clear_ibuf [dreg:s6], $0x2FFFF;
	_ =	strace $0x9FFFFFFF  }
0xc1: {  	(tm) =	ssettm $0x7FFFFFFF  }
tec
execute0_lowered:
.L_overlay_start_1:
0x0: {  	(tag) =	ssettag $0x1  }
0x1: {  	s7 =	rddreg [dreg:$0x0]  }
0x2: {  	s0 =	rddreg [dreg:$0x1];
	_ =	strace $0x8000004D  }
0x3: {  	s1 =	srdreg.scid;
	s4 =	simm.s32 $0x1;
	s9 =	simm.s32 $0x3  }
0x4: {  	s12 =	simm.s32 $0x0;
	s10 =	simm.s32 $0x0;
	s5 =	sshll.u32 s1, $0x4  }
.Ltmp0:
0x5: {  	s1 =	stileid.u32;
	s5 =	sand.u32 $0x10, s5;
	(pc) =	sbr.rel .LBB2_1-.Ltmp0, $4  }
0x6: {  	s2 =	sadd.s32 $0x8D8800, s7;
	s3 =	sadd.s32 $0x57000, s7;
	s6 =	sor.u32 s1, s5  }
0x7: {  	[sflag:s4] =	ssyncpa.u1 $0x0;
	s5 =	simm.s32 $0x2;
	s6 =	sshll.u32 s6, $0x6  }
0x8: {  	s7 =	sadd.s32 $0x8E8C00, s7;
	[sflag:s5] =	ssyncpa.u1 $0x0;
	s8 =	sadd.s32 $0x40, s6  }
0x9: {  	v0 =	vimm.s32 $0x0;
	vm0 =	vmmov $0xff;
	vm1 =	vcmask $0x3F20;
	[sflag:s9] =	ssyncpa.u1 $0x0;
	s9 =	simm.s32 $0x40;
	s11 =	smov.u32 s6  }
.LBB2_9:
0xa: {  	p0 =	seq.s32 s10, $0x2  }
.Ltmp1:
0xb: {  	_ = 	snop;
	(pc) =	sbr.rel @p0 .LBB2_11-.Ltmp1, $1  }
0xc: {  	_ =	sdelay $0x3  }
.LBB2_10:
0xd: {  	s12 =	sadd.s32 $0x40, s11  }
0xe: {  	s13 =	smov.u32 s6;
	p0 =	slt.s32 s12, s8  }
0xf: {  	s13 =	smov.u32 @p0 s12  }
0x10: {  	s10 =	sadd.s32 $0x1, s10;
	s12 =	smov.u32 s11;
	s11 =	smov.u32 s13  }
.LBB2_1:
0x11: {  	p0 =	sne.s32 s10, $0x0  }
.Ltmp2:
0x12: {  	_ = 	snop;
	(pc) =	sbr.rel @!p0 .LBB2_2-.Ltmp2, $1  }
0x13: {  	_ =	sdelay $0x3  }
0x14: {  	s13 =	sand.u32 $0x1, s10  }
0x15: {  	p0 =	seq.s32 s13, $0x0  }
.Ltmp3:
0x16: {  	_ = 	snop;
	(pc) =	sbr.rel @p0 .LBB2_9-.Ltmp3, $1  }
0x17: {  	_ =	sdelay $0x3  }
0x18: {  	_ =	swait.ge [sflag:s5], $0x40  }
0x19: {  	[sflag:s5] =	ssyncset.done $0x0  }
0x1a: {  	s13 =	simm.s32 $0x0;
	[sflag:s5] =	ssyncadd.s32 $0xFFFFFFC0  }
0x1b: {  	v1 =	vld.msk [tilespmem:s13+$0x40 ss:$0x1], $0xffff;
	_ =	sdelay $0x4  }
0x1c: {  	v2 =	vshll.u32 v1, $0x7  }
0x1d: {  	vm2 =	veq.s32 v1, $0x80000000;
	v1 =	vand.u32 $0x7FF80, v2  }
0x1e: {  	v2 =	vsel vm2, $0xFFFFFFFF, v0;
	v1 =	vsel vm2, $0xFFFFFF80, v1  }
0x1f: {  	v2 =	vshll.u32 v2, $0x13;
	v3 =	vand.u32 $0xFFFFFC00, v1  }
0x20: {  	v1 =	vand.u32 $0x380, v1;
	v2 =	vadd.s32 v2, v3  }
0x21: {  	v1 =	vor.u32 v1, v2  }
0x22: {  	v1 =	vshrl.u32 v1, $0x3;
	_ =	sdelay $0x3  }
0x23: {  	s13 =	simm.s32 $0x2080  }
0x24: {  	[tilespmem:s13], [sflag:$0x1] =	stream.indirect_vreg.gather [hbm:s2], $0x80, v1, vm0, $0x38;
	[tilespmem:$0x4080] =	vst v63  }
0x25: {  	s14 =	simm.s32 $0x2480;
	s31 =	simm.s32 $0x10  }
0x26: {  	[tilespmem:s14], [sflag:$0x1] =	stream.indirect_vreg.gather [hbm:s2], $0x80, v1, vm1, $0x38;
	[tilespmem:$0x4080] =	vst v63  }
0x27: {  	s14 =	simm.s32 $0x80;
	v1 =	vld.msk [tilespmem:s31+$0x40 ss:$0x1], $0xffff  }
.LBB2_5:
0x28: {  	p0 =	sne.s32 s14, $0xC0;
	_ =	sdelay $0x4  }
0x29: {  	v2 =	vshll.u32 v1, $0x7  }
0x2a: {  	vm2 =	veq.s32 v1, $0x80000000;
	v1 =	vand.u32 $0x7FF80, v2  }
0x2b: {  	v2 =	vsel vm2, $0xFFFFFFFF, v0;
	v1 =	vsel vm2, $0xFFFFFF80, v1  }
0x2c: {  	v2 =	vshll.u32 v2, $0x13;
	v3 =	vand.u32 $0xFFFFFC00, v1  }
0x2d: {  	v1 =	vand.u32 $0x380, v1;
	v2 =	vadd.s32 v2, v3  }
0x2e: {  	v1 =	vor.u32 v1, v2  }
0x2f: {  	v1 =	vshrl.u32 v1, $0x3;
	_ =	sdelay $0x3  }
.Ltmp4:
0x30: {  	s13 =	sadd.s32 $0x800, s13;
	(pc) =	sbr.rel @p0 .LBB2_5-.Ltmp4, $4  }
0x31: {  	[tilespmem:s13], [sflag:$0x1] =	stream.indirect_vreg.gather [hbm:s2], $0x80, v1, vm0, $0x38;
	[tilespmem:$0x4080] =	vst v63  }
0x32: {  	s15 =	sshra.s32 s14, $0x2;
	s16 =	sadd.s32 $0x400, s13  }
0x33: {  	[tilespmem:s16], [sflag:$0x1] =	stream.indirect_vreg.gather [hbm:s2], $0x80, v1, vm1, $0x38;
	[tilespmem:$0x4080] =	vst v63  }
0x34: {  	s14 =	sadd.s32 $0x40, s14;
	v1 =	vld.msk [tilespmem:s15+$0x40 ss:$0x1], $0xffff  }
0x35: {  	_ =	sdelay $0x3  }
0x36: {  	v2 =	vshll.u32 v1, $0x7  }
0x37: {  	vm2 =	veq.s32 v1, $0x80000000;
	v1 =	vand.u32 $0x7FF80, v2  }
0x38: {  	v2 =	vsel vm2, $0xFFFFFFFF, v0;
	v1 =	vsel vm2, $0xFFFFFF80, v1  }
0x39: {  	v2 =	vshll.u32 v2, $0x13;
	v3 =	vand.u32 $0xFFFFFC00, v1  }
0x3a: {  	v1 =	vand.u32 $0x380, v1;
	v2 =	vadd.s32 v2, v3  }
0x3b: {  	v1 =	vor.u32 v1, v2  }
0x3c: {  	v1 =	vshrl.u32 v1, $0x3;
	_ =	sdelay $0x3  }
0x3d: {  	s13 =	sadd.s32 $0x800, s13  }
0x3e: {  	[tilespmem:s13], [sflag:$0x1] =	stream.indirect_vreg.gather [hbm:s2], $0x80, v1, vm0, $0x38;
	[tilespmem:$0x4080] =	vst v63  }
0x3f: {  	s13 =	sadd.s32 $0x400, s13  }
0x40: {  	[tilespmem:s13], [sflag:$0x1] =	stream.indirect_vreg.gather [hbm:s2], $0x80, v1, vm1, $0x38;
	[tilespmem:$0x4080] =	vst v63  }
0x41: {  	s12 =	sshll.u32 s12, $0x4;
	s14 =	simm.s32 $0x80;
	_ =	swait.ge [sflag:s4], $0x2000  }
0x42: {  	s15 =	simm.s32 $0x2480;
	s12 =	sadd.s32 s12, s7;
	[sflag:s4] =	ssyncset.done $0x0  }
0x43: {  	s16 =	sadd.s32 $0x0, s12;
	s13 =	simm.s32 $0x2080;
	[sflag:s4] =	ssyncadd.s32 $0xFFFFE000  }
.LBB2_7:
0x44: {  	[hbm:s16] =	stream.linear.scatter [tilespmem:s13], [sflag:$0x3], $0x400, $0x38;
	[tilespmem:$0x4080] =	vst v63  }
0x45: {  	s16 =	smov.u32 s14;
	s13 =	smov.u32 s15;
	p0 =	sne.s32 s14, $0x380  }
.Ltmp5:
0x46: {  	s14 =	sadd.s32 $0x80, s14;
	(pc) =	sbr.rel @p0 .LBB2_7-.Ltmp5, $2  }
0x47: {  	_ =	sdelay $0x2  }
0x48: {  	s15 =	sadd.s32 $0x400, s15;
	s16 =	sadd.s32 s16, s12  }
.Ltmp6:
0x49: {  	(pc) =	sbr.rel .LBB2_9-.Ltmp6, $2  }
0x4a: {  	_ =	sdelay $0x2  }
0x4b: {  	[hbm:s16] =	stream.linear.scatter [tilespmem:s13], [sflag:$0x3], $0x400, $0x38;
	[tilespmem:$0x4080] =	vst v63  }
.LBB2_2:
.Ltmp7:
0x4c: {  	(pc) =	sbr.rel .LBB2_10-.Ltmp7, $4  }
0x4d: {  	_ = 	snop  }
0x4e: {  	s12 =	sshrl.u32 s11, $0x3  }
0x4f: {  	s13 =	sand.u32 $0x7, s11;
	s12 =	sadd.s32 s3, s12  }
0x50: {  	[tilespmem:s9], [sflag:$0x2] =	stream.linear.gather [hbm4b:s12+s13], $0x40, $0x38;
	[tilespmem:$0x4080] =	vst v63  }
.LBB2_11:
0x51: {  	s2 =	simm.s32 $0x3  }
0x52: {  	_ =	swait.ge [sflag:s2], $0x2000  }
0x53: {  	[sflag:s2] =	ssyncset.done $0x0  }
0x54: {  	[sflag:s2] =	ssyncadd.s32 $0xFFFFE000  }
0x55: {  	_ =	sfence.sel $0x180000  }
0x56: {  	s3 =	simm.s32 $0x2;
	[bflag:$0x0] =	sbarrier.arrive $0xFFFF  }
0x57: {  	[sflag:s3] =	ssyncpa.u1 $0x1  }
0x58: {  	s31 =	simm.s32 $0x1;
	[sflag:s2] =	ssyncpa.u1 $0x1  }
0x59: {  	[sflag:s31] =	ssyncpa.u1 $0x1  }
0x5a: {  	p0 =	sne.s32 s1, $0x0;
	_ =	strace $0x9000004D  }
0x5b: {  	s0 =	sadd.s32 @!p0 $0x100000, s0;
	[bflag:$0x2] =	sbarrier.arrive $0xFFFF  }
0x5c: {  	[sflag:s0] =	ssyncadd.tile.s32 @!p0 $0x1;
	_ =	shalt  }
.Lfunc_end2:
_tile_overlayer_lowered:
.L_overlay_start_2:
0x5d: {  	(tag) =	ssettag $0x2  }
0x5e: {  	s0 =	rddreg [dreg:$0x0];
	s2 =	stileid.u32  }
0x5f: {  	s1 =	rddreg [dreg:$0x1];
	p0 =	sne.s32 s2, $0x0  }
0x60: {  	s3 =	rddreg [dreg:$0x2];
	[bflag:$0x3] =	sbarrier.arrive $0xFFFF;
	s2 =	simm.s32 @!p0 $0x1C01  }
0x61: {  	[timem:s3], [sflag:s2] =	dma.local @!p0 [hbm:s0], s1  }
0x62: {  	s0 =	simm.s32 @!p0 $0x1  }
0x63: {  	_ =	swait.ge @!p0 [sflag:s0], s1  }
0x64: {  	s1 =	ssub.s32 @!p0 $0x0, s1;
	[sflag:s0] =	ssyncset.done @!p0 $0x0  }
0x65: {  	[sflag:s0] =	ssyncadd.s32 @!p0 s1  }
0x66: {  	[bflag:$0x3] =	sbarrier.arrive $0xFFFF  }
0x67: {  	_ =	shalt  }

// kernel: gather_offload_async_start
scs
__scs_entry_jumppad:
0x0: {  	(pc) =	sbr.rel $0x88, $3  }
0x1: {  	(tag) =	ssettag $0x0;
	lr =	simm.s32 $0x1  }
0x2: {  	[smem:$0x3F61] =	sst lr;
	_ =	strace $0xD0000000  }
0x3: {  	_ = 	snop  }
0x4: {  	_ = 	snop  }
0x5: {  	_ = 	snop  }
0x6: {  	_ = 	snop  }
0x7: {  	_ = 	snop  }
__scs_overlays_trampoline_lowered:
0x8: {  	[smem:$0x3F70] =	sst s0  }
0x9: {  	[smem:$0x3F71] =	sst s1  }
0xa: {  	[smem:$0x3F72] =	sst s2  }
0xb: {  	[smem:$0x3F73] =	sst s3  }
0xc: {  	[smem:$0x3F74] =	sst s4  }
0xd: {  	[smem:$0x3F75] =	sst s5  }
0xe: {  	[smem:$0x3F76] =	sst s6  }
0xf: {  	[smem:$0x3F77] =	sst s7  }
0x10: {  	[smem:$0x3F78] =	sst s8  }
0x11: {  	[smem:$0x3F79] =	sst s9;
	s0 =	simm.s32 @!p0 $0x0  }
0x12: {  	s1 =	sld [smem:$0x3F5F];
	s0 =	simm.s32 @p0 $0x1  }
0x13: {  	[smem:$0x3F7A] =	sst s0;
	s0 =	simm.s32 @!p1 $0x0  }
0x14: {  	s2 =	sld [smem:$0x3F5E];
	s0 =	simm.s32 @p1 $0x1  }
0x15: {  	[smem:$0x3F7B] =	sst s0;
	s0 =	simm.s32 @!p2 $0x0  }
0x16: {  	s3 =	sld [smem:$0x3FDB];
	s0 =	simm.s32 @p2 $0x1  }
0x17: {  	s4 =	simm.s32 $0x1BF5;
	[smem:$0x3F7D] =	sst s0  }
0x18: {  	s0 =	sld [smem:$0x3F60];
	_ =	swait.ge [sflag:s4], $0x0  }
0x19: {  	s7 =	sld [smem:$0x3F61]  }
0x1a: {  	s8 =	sadd.s32 $0xFFFFE003, lr  }
0x1b: {  	s9 =	sadd.s32 $0xFFFFFEF7, lr;
	s5 =	simm.s32 $0xFFFFFFFF;
	p2 =	slt.u32 s8, $0xFFFFF086  }
0x1c: {  	p1 =	slt.u32 s9, $0xF7A;
	s5 =	simm.s32 @!p2 $0x0  }
0x1d: {  	s5 =	simm.s32 @p1 $0x1;
	p0 =	seq.s32 s7, s2  }
0x1e: {  	s7 =	smul.u32 @!p0 $0xF7A, s2;
	p2 =	seq.s32 @!p0 s5, $0x0  }
0x1f: {  	s9 =	smul.u32 $0xF7A, s1;
	s8 =	simm.s32 @!p0 $0x1BF5;
	p2 =	por !p2, p0  }
0x20: {  	[sflag:s8] =	ssyncset.s32 @!p0 $0xFFFFF086;
	s6 =	sadd.s32 @!p0 s3, s7;
	s7 =	simm.s32 @!p0 $0x108  }
0x21: {  	s3 =	sadd.s32 s3, s9;
	s6 =	sadd.s32 @!p0 $0x88, s6;
	s7 =	simm.s32 @p2 $0x1082  }
0x22: {  	[simem:s7], [sflag:s8] =	dma.local @!p0 [hbm:s6], $0xF7A  }
0x23: {  	s9 =	sor.u32 $0xD0000000, s2;
	s6 =	simm.s32 $0x108;
	_ =	swait.ge @!p0 [sflag:s8], $0x0  }
0x24: {  	s3 =	sadd.s32 $0x88, s3;
	s6 =	simm.s32 @!p1 $0x1082;
	[sflag:s4] =	ssyncset.s32 $0xFFFFF086  }
0x25: {  	[simem:s6], [sflag:s4] =	dma.local [hbm:s3], $0xF7A  }
0x26: {  	[smem:$0x3F61] =	sst s1;
	(tag) =	ssettag s2;
	_ =	strace s9  }
0x27: {  	s1 =	sld [smem:$0x3F71]  }
0x28: {  	s2 =	sld [smem:$0x3F72]  }
0x29: {  	s4 =	sld [smem:$0x3F74]  }
0x2a: {  	p0 =	seq.s32 s5, $0x0;
	s5 =	sld [smem:$0x3F75]  }
0x2b: {  	s6 =	sld [smem:$0x3F76]  }
0x2c: {  	s7 =	sld [smem:$0x3F77]  }
0x2d: {  	s3 =	simm.s32 $0x108;
	s8 =	sld [smem:$0x3F78]  }
0x2e: {  	s3 =	simm.s32 @!p0 $0x1082;
	s9 =	sld [smem:$0x3F79]  }
0x2f: {  	lr =	sadd.s32 s0, s3;
	s0 =	sld [smem:$0x3F70]  }
0x30: {  	s3 =	sld [smem:$0x3F73]  }
0x31: {  	[smem:$0x3F7C] =	sst s10  }
0x32: {  	s10 =	sld [smem:$0x3F7A];
	_ =	sdelay $0x3  }
0x33: {  	p0 =	seq.s32 s10, $0x1;
	s10 =	sld [smem:$0x3F7C];
	_ =	sdelay $0x3  }
0x34: {  	[smem:$0x3F7C] =	sst s10  }
0x35: {  	s10 =	sld [smem:$0x3F7B];
	_ =	sdelay $0x3  }
0x36: {  	p1 =	seq.s32 s10, $0x1;
	s10 =	sld [smem:$0x3F7C];
	_ =	sdelay $0x3  }
0x37: {  	[smem:$0x3F7C] =	sst s10  }
0x38: {  	s10 =	sld [smem:$0x3F7D]  }
0x39: {  	_ = 	snop;
	(pc) =	sbr.ind lr, $3  }
0x3a: {  	_ = 	snop  }
0x3b: {  	_ = 	snop  }
0x3c: {  	p2 =	seq.s32 s10, $0x1;
	s10 =	sld [smem:$0x3F7C]  }
0x3d: {  	_ =	shalt  }
0x3e: {  	_ =	shalt  }
0x3f: {  	_ =	shalt  }
0x40: {  	_ =	shalt  }
0x41: {  	_ =	shalt  }
0x42: {  	_ =	shalt  }
0x43: {  	_ =	shalt  }
0x44: {  	_ =	shalt  }
0x45: {  	_ =	shalt  }
0x46: {  	_ =	shalt  }
0x47: {  	_ =	shalt  }
0x48: {  	_ =	shalt  }
0x49: {  	_ =	shalt  }
0x4a: {  	_ =	shalt  }
0x4b: {  	_ =	shalt  }
0x4c: {  	_ =	shalt  }
0x4d: {  	_ =	shalt  }
0x4e: {  	_ =	shalt  }
0x4f: {  	_ =	shalt  }
0x50: {  	_ =	shalt  }
0x51: {  	_ =	shalt  }
0x52: {  	_ =	shalt  }
0x53: {  	_ =	shalt  }
0x54: {  	_ =	shalt  }
0x55: {  	_ =	shalt  }
0x56: {  	_ =	shalt  }
0x57: {  	_ =	shalt  }
0x58: {  	_ =	shalt  }
0x59: {  	_ =	shalt  }
0x5a: {  	_ =	shalt  }
0x5b: {  	_ =	shalt  }
0x5c: {  	_ =	shalt  }
0x5d: {  	_ =	shalt  }
0x5e: {  	_ =	shalt  }
0x5f: {  	_ =	shalt  }
0x60: {  	_ =	shalt  }
0x61: {  	_ =	shalt  }
0x62: {  	_ =	shalt  }
0x63: {  	_ =	shalt  }
0x64: {  	_ =	shalt  }
0x65: {  	_ =	shalt  }
0x66: {  	_ =	shalt  }
0x67: {  	_ =	shalt  }
0x68: {  	_ =	shalt  }
0x69: {  	_ =	shalt  }
0x6a: {  	_ =	shalt  }
0x6b: {  	_ =	shalt  }
0x6c: {  	_ =	shalt  }
0x6d: {  	_ =	shalt  }
0x6e: {  	_ =	shalt  }
0x6f: {  	_ =	shalt  }
0x70: {  	_ =	shalt  }
0x71: {  	_ =	shalt  }
0x72: {  	_ =	shalt  }
0x73: {  	_ =	shalt  }
0x74: {  	_ =	shalt  }
0x75: {  	_ =	shalt  }
0x76: {  	_ =	shalt  }
0x77: {  	_ =	shalt  }
0x78: {  	_ =	shalt  }
0x79: {  	_ =	shalt  }
0x7a: {  	_ =	shalt  }
0x7b: {  	_ =	shalt  }
0x7c: {  	_ =	shalt  }
0x7d: {  	_ =	shalt  }
0x7e: {  	_ =	shalt  }
0x7f: {  	_ =	shalt  }
0x80: {  	_ =	shalt  }
0x81: {  	_ =	shalt  }
0x82: {  	_ =	shalt  }
0x83: {  	_ =	shalt  }
0x84: {  	_ =	shalt  }
0x85: {  	_ =	shalt  }
0x86: {  	_ =	shalt  }
0x87: {  	_ =	shalt  }
.Lfunc_end0:
.L_simem_size_0:
called_computation.5_lowered:
.L_overlay_start_0:
0x88: {  	s2 =	sld [smem:$0x3FD9]  }
0x89: {  	s3 =	sld [smem:$0x3FFE];
	_ =	sdelay $0x1  }
0x8a: {  	s1 =	srdreg.scid  }
0x8b: {  	s0 =	sand.u32 $0x1, s1  }
0x8c: {  	s16 =	sshll.u32 s0, $0xA;
	s2 =	sadd.s32 s3, s2  }
0x8d: {  	s2 =	sadd.s32 s2, s16  }
0x8e: {  	[smem:$0x3F88] =	sst s2  }
0x8f: {  	_ = 	snop  }
0x90: {  	(tm) =	ssettm $0x1  }
0x91: {  	s17 =	sld [smem:$0x3FFB];
	_ =	sdelay $0x3  }
0x92: {  	_ =	strace s17  }
0x93: {  	s2 =	sld [smem:$0x3FFC];
	_ =	sdelay $0x3  }
0x94: {  	_ =	strace s2  }
0x95: {  	s2 =	sld [smem:$0x3FFD];
	_ =	sdelay $0x3  }
0x96: {  	_ =	strace s2  }
0x97: {  	_ =	strace $0x8FFFFFFF  }
0x98: {  	s18 =	sld [smem:$0x3FDB];
	_ =	sdelay $0x1  }
0x99: {  	s19 =	simm.s32 $_scs_section_size  }
0x9a: {  	s4 =	simm.s32 $_size__tile_overlayer_lowered;
	s5 =	simm.s32 $_tile_overlayer_lowered  }
0x9b: {  	s22 =	simm.s32 $0x1BFF;
	s21 =	sshll.u32 s5, $0x1;
	s2 =	sadd.s32 s19, s18  }
0x9c: {  	s6 =	simm.s32 $0x0;
	s20 =	sshll.u32 s4, $0x1;
	s4 =	sadd.s32 s21, s2  }
0x9d: {  	[timem:s6], [sflag:s22] =	dma.local [hbm:s4], s20  }
0x9e: {  	_ =	swait.ge [sflag:s22], s20  }
0x9f: {  	s3 =	ssub.s32 $0x0, s20;
	[sflag:s22] =	ssyncset.done $0x0  }
0xa0: {  	[sflag:s22] =	ssyncadd.s32 s3;
	_ =	sdelay $0x1  }
0xa1: {  	s23 =	simm.s32 $0x1B8B  }
0xa2: {  	_ =	swait.ge [sflag:s23], $0x1  }
0xa3: {  	[sflag:s23] =	ssyncset.done $0x0  }
0xa4: {  	s25 =	simm.s32 $0x1B8E;
	s24 =	sld [smem:$0x3FFE];
	[sflag:s23] =	ssyncadd.s32 $0xFFFFFFFF  }
0xa5: {  	s26 =	simm.s32 $execute0_lowered;
	[smem:$0x3FD2] =	sst s25  }
0xa6: {  	s4 =	sshll.u32 s26, $0x1;
	_ =	strace $0x80000046;
	[dreg:$0x1] =	wrdreg $0xFFFFFFFF  }
0xa7: {  	s28 =	simm.s32 $_size_execute0_lowered;
	s2 =	sadd.s32 s2, s4;
	[dreg:$0x0] =	wrdreg $0x0  }
0xa8: {  	s4 =	sshll.u32 s28, $0x1;
	[dreg:$0x2] =	wrdreg s2  }
0xa9: {  	[dreg:$0x3] =	wrdreg s4  }
0xaa: {  	[dreg:$0x4] =	wrdreg $0xC0  }
0xab: {  	_ =	task [dreg:s6], $0x5FFFF  }
0xac: {  	[dreg:$0x1] =	wrdreg $0xFFFFFFFF  }
0xad: {  	[dreg:$0x0] =	wrdreg $0x60  }
0xae: {  	[dreg:$0x2] =	wrdreg s24  }
0xaf: {  	[dreg:$0x3] =	wrdreg $0x9  }
0xb0: {  	_ =	task.clear_ibuf [dreg:s6], $0x4FFFF;
	_ =	strace $0x90000046  }
0xb1: {  	s29 =	simm.s32 $0x9;
	_ =	strace $0x80000048  }
0xb2: {  	_ =	swait.ge [sflag:s29], $0x1  }
0xb3: {  	[sflag:s29] =	ssyncadd.s32 $0xFFFFFFFF  }
0xb4: {  	_ =	strace $0x90000048  }
0xb5: {  	_ =	sfence  }
0xb6: {  	s30 =	sld [smem:$0x0];
	_ =	sdelay $0x2  }
0xb7: {  	s31 =	sshll.u32 s1, $0xD;
	s1 =	sshrl.u32 s1, $0x2  }
0xb8: {  	s3 =	sand.u32 $0x4000, s31;
	s1 =	sadd.s32 s1, s30  }
0xb9: {  	s0 =	sor.u32 s3, s0;
	s1 =	sshll.u32 s1, $0x11  }
0xba: {  	s0 =	sor.u32 s1, s0  }
0xbb: {  	s0 =	sadd.s32 $0x8F2B, s0  }
0xbc: {  	[sflag:s0] =	ssyncadd.remote.s32 $0x1  }
0xbd: {  	_ =	sfence.sel $0xFFFF  }
0xbe: {  	[dreg:$0x0] =	wrdreg $0xFFFFFFFF;
	(pc) =	sbr.abs _section_cstart, $3  }
0xbf: {  	[dreg:$0x1] =	wrdreg $0xFFFFFFFF  }
0xc0: {  	_ =	task.clear_ibuf [dreg:s6], $0x2FFFF;
	_ =	strace $0x9FFFFFFF  }
0xc1: {  	(tm) =	ssettm $0x7FFFFFFF  }
tec
execute0_lowered:
.L_overlay_start_1:
0x0: {  	(tag) =	ssettag $0x1  }
0x1: {  	s2 =	rddreg [dreg:$0x0]  }
0x2: {  	s0 =	rddreg [dreg:$0x1]  }
0x3: {  	s1 =	srdreg.scid;
	_ =	strace $0x80000047;
	s4 =	simm.s32 $0x1  }
0x4: {  	s9 =	simm.s32 $0x3;
	s12 =	simm.s32 $0x0;
	s5 =	sshll.u32 s1, $0x4  }
.Ltmp0:
0x5: {  	s1 =	stileid.u32;
	s5 =	sand.u32 $0x10, s5;
	(pc) =	sbr.rel .LBB2_1-.Ltmp0, $4  }
0x6: {  	s10 =	simm.s32 $0x0;
	s3 =	sadd.s32 $0x20000, s2;
	s6 =	sor.u32 s1, s5  }
0x7: {  	[sflag:s4] =	ssyncpa.u1 $0x0;
	s5 =	simm.s32 $0x2;
	s6 =	sshll.u32 s6, $0x8  }
0x8: {  	s7 =	sadd.s32 $0x36C00, s2;
	[sflag:s5] =	ssyncpa.u1 $0x0;
	s8 =	sadd.s32 $0x100, s6  }
0x9: {  	v0 =	vimm.s32 $0x0;
	vm0 =	vmmov $0xff;
	vm1 =	vcmask $0x3F20;
	[sflag:s9] =	ssyncpa.u1 $0x0;
	s9 =	simm.s32 $0x100;
	s11 =	smov.u32 s6  }
.LBB2_9:
0xa: {  	p0 =	seq.s32 s10, $0x2  }
.Ltmp1:
0xb: {  	_ = 	snop;
	(pc) =	sbr.rel @p0 .LBB2_11-.Ltmp1, $1  }
0xc: {  	_ =	sdelay $0x3  }
.LBB2_10:
0xd: {  	s12 =	sadd.s32 $0x100, s11  }
0xe: {  	s13 =	smov.u32 s6;
	p0 =	slt.s32 s12, s8  }
0xf: {  	s13 =	smov.u32 @p0 s12  }
0x10: {  	s10 =	sadd.s32 $0x1, s10;
	s12 =	smov.u32 s11;
	s11 =	smov.u32 s13  }
.LBB2_1:
0x11: {  	p0 =	sne.s32 s10, $0x0  }
.Ltmp2:
0x12: {  	_ = 	snop;
	(pc) =	sbr.rel @!p0 .LBB2_2-.Ltmp2, $1  }
0x13: {  	_ =	sdelay $0x3  }
0x14: {  	s13 =	sand.u32 $0x1, s10  }
0x15: {  	p0 =	seq.s32 s13, $0x0  }
.Ltmp3:
0x16: {  	_ = 	snop;
	(pc) =	sbr.rel @p0 .LBB2_9-.Ltmp3, $1  }
0x17: {  	_ =	sdelay $0x3  }
0x18: {  	_ =	swait.ge [sflag:s5], $0x100  }
0x19: {  	[sflag:s5] =	ssyncset.done $0x0  }
0x1a: {  	s13 =	simm.s32 $0x0;
	[sflag:s5] =	ssyncadd.s32 $0xFFFFFF00  }
0x1b: {  	v1 =	vld.msk [tilespmem:s13+$0x100 ss:$0x1], $0xffff;
	_ =	sdelay $0x4  }
0x1c: {  	v2 =	vshll.u32 v1, $0x7  }
0x1d: {  	vm2 =	veq.s32 v1, $0x80000000;
	v1 =	vand.u32 $0xFFF80, v2  }
0x1e: {  	v2 =	vsel vm2, $0xFFFFFFFF, v0;
	v1 =	vsel vm2, $0xFFFFFF80, v1  }
0x1f: {  	v2 =	vshll.u32 v2, $0x14;
	v3 =	vand.u32 $0xFFFFFC00, v1  }
0x20: {  	v1 =	vand.u32 $0x380, v1;
	v2 =	vadd.s32 v2, v3  }
0x21: {  	v1 =	vor.u32 v1, v2  }
0x22: {  	v1 =	vshrl.u32 v1, $0x3;
	_ =	sdelay $0x3  }
0x23: {  	s13 =	simm.s32 $0x8200  }
0x24: {  	[tilespmem:s13], [sflag:$0x1] =	stream.indirect_vreg.gather [hbm:s2], $0x80, v1, vm0, $0x38;
	[tilespmem:$0x10200] =	vst v63  }
0x25: {  	s14 =	simm.s32 $0x8600;
	s31 =	simm.s32 $0x10  }
0x26: {  	[tilespmem:s14], [sflag:$0x1] =	stream.indirect_vreg.gather [hbm:s2], $0x80, v1, vm1, $0x38;
	[tilespmem:$0x10200] =	vst v63  }
0x27: {  	s14 =	simm.s32 $0x80;
	v1 =	vld.msk [tilespmem:s31+$0x100 ss:$0x1], $0xffff  }
.LBB2_5:
0x28: {  	p0 =	sne.s32 s14, $0x3C0;
	_ =	sdelay $0x4  }
0x29: {  	v2 =	vshll.u32 v1, $0x7  }
0x2a: {  	vm2 =	veq.s32 v1, $0x80000000;
	v1 =	vand.u32 $0xFFF80, v2  }
0x2b: {  	v2 =	vsel vm2, $0xFFFFFFFF, v0;
	v1 =	vsel vm2, $0xFFFFFF80, v1  }
0x2c: {  	v2 =	vshll.u32 v2, $0x14;
	v3 =	vand.u32 $0xFFFFFC00, v1  }
0x2d: {  	v1 =	vand.u32 $0x380, v1;
	v2 =	vadd.s32 v2, v3  }
0x2e: {  	v1 =	vor.u32 v1, v2  }
0x2f: {  	v1 =	vshrl.u32 v1, $0x3;
	_ =	sdelay $0x3  }
.Ltmp4:
0x30: {  	s13 =	sadd.s32 $0x800, s13;
	(pc) =	sbr.rel @p0 .LBB2_5-.Ltmp4, $4  }
0x31: {  	[tilespmem:s13], [sflag:$0x1] =	stream.indirect_vreg.gather [hbm:s2], $0x80, v1, vm0, $0x38;
	[tilespmem:$0x10200] =	vst v63  }
0x32: {  	s15 =	sshra.s32 s14, $0x2;
	s16 =	sadd.s32 $0x400, s13  }
0x33: {  	[tilespmem:s16], [sflag:$0x1] =	stream.indirect_vreg.gather [hbm:s2], $0x80, v1, vm1, $0x38;
	[tilespmem:$0x10200] =	vst v63  }
0x34: {  	s14 =	sadd.s32 $0x40, s14;
	v1 =	vld.msk [tilespmem:s15+$0x100 ss:$0x1], $0xffff  }
0x35: {  	_ =	sdelay $0x3  }
0x36: {  	v2 =	vshll.u32 v1, $0x7  }
0x37: {  	vm2 =	veq.s32 v1, $0x80000000;
	v1 =	vand.u32 $0xFFF80, v2  }
0x38: {  	v2 =	vsel vm2, $0xFFFFFFFF, v0;
	v1 =	vsel vm2, $0xFFFFFF80, v1  }
0x39: {  	v2 =	vshll.u32 v2, $0x14;
	v3 =	vand.u32 $0xFFFFFC00, v1  }
0x3a: {  	v1 =	vand.u32 $0x380, v1;
	v2 =	vadd.s32 v2, v3  }
0x3b: {  	v1 =	vor.u32 v1, v2  }
0x3c: {  	v1 =	vshrl.u32 v1, $0x3;
	_ =	sdelay $0x3  }
0x3d: {  	s13 =	sadd.s32 $0x800, s13  }
0x3e: {  	[tilespmem:s13], [sflag:$0x1] =	stream.indirect_vreg.gather [hbm:s2], $0x80, v1, vm0, $0x38;
	[tilespmem:$0x10200] =	vst v63  }
0x3f: {  	s13 =	sadd.s32 $0x400, s13  }
0x40: {  	[tilespmem:s13], [sflag:$0x1] =	stream.indirect_vreg.gather [hbm:s2], $0x80, v1, vm1, $0x38;
	[tilespmem:$0x10200] =	vst v63  }
0x41: {  	s12 =	sshll.u32 s12, $0x4;
	s14 =	simm.s32 $0x80;
	_ =	swait.ge [sflag:s4], $0x8000  }
0x42: {  	s15 =	simm.s32 $0x8600;
	s12 =	sadd.s32 s12, s7;
	[sflag:s4] =	ssyncset.done $0x0  }
0x43: {  	s16 =	sadd.s32 $0x0, s12;
	s13 =	simm.s32 $0x8200;
	[sflag:s4] =	ssyncadd.s32 $0xFFFF8000  }
.LBB2_7:
0x44: {  	[hbm:s16] =	stream.linear.scatter [tilespmem:s13], [sflag:$0x3], $0x400, $0x38;
	[tilespmem:$0x10200] =	vst v63  }
0x45: {  	s16 =	smov.u32 s14;
	s13 =	smov.u32 s15;
	p0 =	sne.s32 s14, $0xF80  }
.Ltmp5:
0x46: {  	s14 =	sadd.s32 $0x80, s14;
	(pc) =	sbr.rel @p0 .LBB2_7-.Ltmp5, $2  }
0x47: {  	_ =	sdelay $0x2  }
0x48: {  	s15 =	sadd.s32 $0x400, s15;
	s16 =	sadd.s32 s16, s12  }
.Ltmp6:
0x49: {  	(pc) =	sbr.rel .LBB2_9-.Ltmp6, $2  }
0x4a: {  	_ =	sdelay $0x2  }
0x4b: {  	[hbm:s16] =	stream.linear.scatter [tilespmem:s13], [sflag:$0x3], $0x400, $0x38;
	[tilespmem:$0x10200] =	vst v63  }
.LBB2_2:
.Ltmp7:
0x4c: {  	(pc) =	sbr.rel .LBB2_10-.Ltmp7, $4  }
0x4d: {  	_ = 	snop  }
0x4e: {  	s12 =	sshrl.u32 s11, $0x3  }
0x4f: {  	s13 =	sand.u32 $0x7, s11;
	s12 =	sadd.s32 s3, s12  }
0x50: {  	[tilespmem:s9], [sflag:$0x2] =	stream.linear.gather [hbm4b:s12+s13], $0x100, $0x38;
	[tilespmem:$0x10200] =	vst v63  }
.LBB2_11:
0x51: {  	s2 =	simm.s32 $0x3  }
0x52: {  	_ =	swait.ge [sflag:s2], $0x8000  }
0x53: {  	[sflag:s2] =	ssyncset.done $0x0  }
0x54: {  	[sflag:s2] =	ssyncadd.s32 $0xFFFF8000  }
0x55: {  	_ =	sfence.sel $0x180000  }
0x56: {  	s3 =	simm.s32 $0x2;
	[bflag:$0x0] =	sbarrier.arrive $0xFFFF  }
0x57: {  	[sflag:s3] =	ssyncpa.u1 $0x1  }
0x58: {  	s31 =	simm.s32 $0x1;
	[sflag:s2] =	ssyncpa.u1 $0x1  }
0x59: {  	[sflag:s31] =	ssyncpa.u1 $0x1  }
0x5a: {  	p0 =	sne.s32 s1, $0x0;
	_ =	strace $0x90000047  }
0x5b: {  	s0 =	sadd.s32 @!p0 $0x100000, s0;
	[bflag:$0x2] =	sbarrier.arrive $0xFFFF  }
0x5c: {  	[sflag:s0] =	ssyncadd.tile.s32 @!p0 $0x1;
	_ =	shalt  }
.Lfunc_end2:
_tile_overlayer_lowered:
.L_overlay_start_2:
0x5d: {  	(tag) =	ssettag $0x2  }
0x5e: {  	s0 =	rddreg [dreg:$0x0];
	s2 =	stileid.u32  }
0x5f: {  	s1 =	rddreg [dreg:$0x1];
	p0 =	sne.s32 s2, $0x0  }
0x60: {  	s3 =	rddreg [dreg:$0x2];
	[bflag:$0x3] =	sbarrier.arrive $0xFFFF;
	s2 =	simm.s32 @!p0 $0x1C01  }
0x61: {  	[timem:s3], [sflag:s2] =	dma.local @!p0 [hbm:s0], s1  }
0x62: {  	s0 =	simm.s32 @!p0 $0x1  }
0x63: {  	_ =	swait.ge @!p0 [sflag:s0], s1  }
0x64: {  	s1 =	ssub.s32 @!p0 $0x0, s1;
	[sflag:s0] =	ssyncset.done @!p0 $0x0  }
0x65: {  	[sflag:s0] =	ssyncadd.s32 @!p0 s1  }
0x66: {  	[bflag:$0x3] =	sbarrier.arrive $0xFFFF  }
0x67: {  	_ =	shalt  }

// kernel: sparse-core-data-format-call.1.cloned.1.call-start
scs
called_computation.1_lowered:
.L_overlay_start_0:
0x0: {  	s2 =	sld [smem:$0x3FD9]  }
0x1: {  	s3 =	sld [smem:$0x3FFE];
	_ =	sdelay $0x1  }
0x2: {  	s1 =	srdreg.scid  }
0x3: {  	s0 =	sand.u32 $0x1, s1  }
0x4: {  	s18 =	sshll.u32 s0, $0xA;
	s2 =	sadd.s32 s3, s2  }
0x5: {  	s2 =	sadd.s32 s2, s18  }
0x6: {  	[smem:$0x3F88] =	sst s2  }
0x7: {  	_ = 	snop  }
0x8: {  	(tm) =	ssettm $0x1  }
0x9: {  	s19 =	sld [smem:$0x3FFB];
	_ =	sdelay $0x3  }
0xa: {  	_ =	strace s19  }
0xb: {  	s2 =	sld [smem:$0x3FFC];
	_ =	sdelay $0x3  }
0xc: {  	_ =	strace s2  }
0xd: {  	s2 =	sld [smem:$0x3FFD];
	_ =	sdelay $0x3  }
0xe: {  	_ =	strace s2  }
0xf: {  	_ =	strace $0x8FFFFFFF  }
0x10: {  	s20 =	sld [smem:$0x3FDB];
	_ =	sdelay $0x1  }
0x11: {  	s21 =	simm.s32 $_scs_section_size  }
0x12: {  	s4 =	simm.s32 $_size__tile_overlayer_lowered;
	s5 =	simm.s32 $_tile_overlayer_lowered  }
0x13: {  	s6 =	simm.s32 $0x1BFF;
	s22 =	sshll.u32 s5, $0x1;
	s3 =	sadd.s32 s21, s20  }
0x14: {  	s23 =	simm.s32 $0x0;
	s4 =	sshll.u32 s4, $0x1;
	s5 =	sadd.s32 s22, s3  }
0x15: {  	[timem:s23], [sflag:s6] =	dma.local [hbm:s5], s4  }
0x16: {  	_ =	swait.ge [sflag:s6], s4  }
0x17: {  	s4 =	ssub.s32 $0x0, s4;
	[sflag:s6] =	ssyncset.done $0x0  }
0x18: {  	[sflag:s6] =	ssyncadd.s32 s4;
	_ =	sdelay $0x1  }
0x19: {  	s24 =	simm.s32 $0x1B8B  }
0x1a: {  	_ =	swait.ge [sflag:s24], $0x1  }
0x1b: {  	[sflag:s24] =	ssyncset.done $0x0  }
0x1c: {  	[sflag:s24] =	ssyncadd.s32 $0xFFFFFFFF  }
0x1d: {  	s4 =	sld [smem:$0x0]  }
0x1e: {  	s5 =	sand.u32 $0xFFFFFFFE, s1  }
0x1f: {  	p0 =	sne.s32 s1, s5  }
0x20: {  	s5 =	sshll.u32 @p0 s5, $0xE  }
0x21: {  	s5 =	sadd.s32 @p0 $0x11B8D, s5;
	s6 =	sshll.u32 @p0 s4, $0x11  }
0x22: {  	s5 =	sor.u32 @p0 s6, s5  }
0x23: {  	[sflag:s5] =	ssyncadd.remote.s32 @p0 $0x1;
	_ =	sdelay $0x1  }
0x24: {  	s5 =	simm.s32 @p0 $0x1B8D  }
0x25: {  	_ =	swait.eq @p0 [sflag:s5], $0x1  }
0x26: {  	[sflag:s5] =	ssyncadd.s32 @p0 $0xFFFFFFFF  }
0x27: {  	s6 =	sshll.u32 @!p0 s1, $0xE  }
0x28: {  	s6 =	sor.u32 @!p0 $0x4000, s6;
	s5 =	simm.s32 @!p0 $0x1B8D  }
0x29: {  	s4 =	sshll.u32 @!p0 s4, $0x11;
	s6 =	sadd.s32 @!p0 $0x11B8D, s6;
	_ =	swait.eq @!p0 [sflag:s5], $0x1  }
0x2a: {  	s4 =	sor.u32 @!p0 s4, s6;
	[sflag:s5] =	ssyncadd.s32 @!p0 $0xFFFFFFFF  }
0x2b: {  	s26 =	simm.s32 $0x1B8E;
	s25 =	sld [smem:$0x3FFE];
	[sflag:s4] =	ssyncadd.remote.s32 @!p0 $0x1  }
0x2c: {  	s27 =	simm.s32 $execute0_lowered;
	[smem:$0x3FD2] =	sst s26  }
0x2d: {  	s5 =	sshll.u32 s27, $0x1;
	_ =	strace $0x80000052;
	[dreg:$0x1] =	wrdreg $0xFFFFFFFF  }
0x2e: {  	s28 =	simm.s32 $_size_execute0_lowered;
	s3 =	sadd.s32 s3, s5;
	[dreg:$0x0] =	wrdreg $0x0  }
0x2f: {  	s5 =	sshll.u32 s28, $0x1;
	[dreg:$0x2] =	wrdreg s3  }
0x30: {  	[dreg:$0x3] =	wrdreg s5  }
0x31: {  	[dreg:$0x4] =	wrdreg $0xC0  }
0x32: {  	_ =	task [dreg:s23], $0x5FFFF  }
0x33: {  	[dreg:$0x1] =	wrdreg $0xFFFFFFFF  }
0x34: {  	[dreg:$0x0] =	wrdreg $0x60  }
0x35: {  	[dreg:$0x2] =	wrdreg s25  }
0x36: {  	[dreg:$0x3] =	wrdreg $0xA  }
0x37: {  	_ =	task.clear_ibuf [dreg:s23], $0x4FFFF;
	_ =	strace $0x90000052  }
0x38: {  	s29 =	simm.s32 $0xA;
	_ =	strace $0x80000054  }
0x39: {  	_ =	swait.ge [sflag:s29], $0x1  }
0x3a: {  	[sflag:s29] =	ssyncadd.s32 $0xFFFFFFFF  }
0x3b: {  	_ =	strace $0x90000054  }
0x3c: {  	_ =	sfence  }
0x3d: {  	s30 =	sld [smem:$0x0];
	_ =	sdelay $0x2  }
0x3e: {  	s31 =	sshll.u32 s1, $0xD;
	s1 =	sshrl.u32 s1, $0x2  }
0x3f: {  	s4 =	sand.u32 $0x4000, s31;
	s1 =	sadd.s32 s1, s30  }
0x40: {  	s0 =	sor.u32 s4, s0;
	s1 =	sshll.u32 s1, $0x11  }
0x41: {  	s0 =	sor.u32 s1, s0  }
0x42: {  	s0 =	sadd.s32 $0x8F2B, s0  }
0x43: {  	[sflag:s0] =	ssyncadd.remote.s32 $0x1  }
0x44: {  	_ =	sfence.sel $0xFFFF  }
0x45: {  	[dreg:$0x0] =	wrdreg $0xFFFFFFFF;
	(pc) =	sbr.abs _section_cstart, $3  }
0x46: {  	[dreg:$0x1] =	wrdreg $0xFFFFFFFF  }
0x47: {  	_ =	task.clear_ibuf [dreg:s23], $0x2FFFF;
	_ =	strace $0x9FFFFFFF  }
0x48: {  	(tm) =	ssettm $0x7FFFFFFF  }
0x49: {  	_ =	shalt  }
tec
execute0_lowered:
.L_overlay_start_1:
0x0: {  	(tag) =	ssettag $0x1  }
0x1: {  	s0 =	srdreg.scid  }
0x2: {  	s1 =	sshll.u32 s0, $0x4  }
0x3: {  	s6 =	rddreg [dreg:$0x0];
	s0 =	stileid.u32;
	s1 =	sand.u32 $0x10, s1  }
0x4: {  	s5 =	simm.s32 $0x1;
	s31 =	simm.s32 $0x2;
	s1 =	sor.u32 s0, s1  }
0x5: {  	s13 =	simm.s32 $0x0;
	s8 =	simm.s32 $0x8000;
	s2 =	sshll.u32 s1, $0x7  }
0x6: {  	s12 =	simm.s32 $0x0;
	s9 =	simm.s32 $0x0;
	s3 =	ssub.s32 $0x1000, s2  }
0x7: {  	s11 =	simm.s32 $0x0;
	s1 =	rddreg [dreg:$0x1];
	s4 =	sand.u32 $0xF80, s3  }
.Ltmp0:
0x8: {  	_ =	strace $0x80000053;
	p0 =	sne.s32 s4, $0x0;
	(pc) =	sbr.rel .LBB1_1-.Ltmp0, $4  }
0x9: {  	s10 =	smov.u32 s2;
	s7 =	sshrl.u32 s3, $0xC;
	s5 =	simm.s32 @!p0 $0x0  }
0xa: {  	s3 =	sadd.s32 $0x12F0C00, s6;
	s4 =	simm.s32 $0x1;
	s5 =	sadd.s32 s5, s7  }
0xb: {  	s6 =	sadd.s32 $0x13F0C00, s6;
	[sflag:s4] =	ssyncpa.u1 $0x0;
	s5 =	sshll.u32 s5, $0x4  }
0xc: {  	p0 =	por $0x0, $0x0;
	[sflag:s31] =	ssyncpa.u1 $0x0;
	s7 =	sor.u32 $0x1, s5  }
.LBB1_4:
0xd: {  	v5 =	vld [tilespmem:s16+$0xFFFFFFD0]  }
0xe: {  	[tilespmem:s17+$0x2040 ss:$0x81] =	vst.msk $0xffff, v1;
	v58 =	vld [tilespmem:s16+$0xFFFFFFE0]  }
0xf: {  	[tilespmem:s17+$0x2850 ss:$0x81] =	vst.msk $0xffff, v2;
	v59 =	vld [tilespmem:s16+$0xFFFFFFF0]  }
0x10: {  	s18 =	sshra.s32 s18, $0x2;
	[tilespmem:s17+$0x3060 ss:$0x81] =	vst.msk $0xffff, v3;
	v60 =	vld [tilespmem:s16+$0x0]  }
0x11: {  	[tilespmem:s17+$0x0 ss:$0x81] =	vst.msk $0xffff, v0;
	v61 =	vld [tilespmem:s16+$0x10];
	s15 =	sadd.s32 s18, s15  }
0x12: {  	s26 =	sshll.u32 s13, $0xC;
	v62 =	vld [tilespmem:s16+$0x20];
	[tilespmem:s15+$0x3870 ss:$0x81] =	vst.msk $0xffff, v4  }
0x13: {  	s27 =	sand.u32 $0x78, s12;
	s19 =	sshll.u32 s12, $0x3;
	v63 =	vld [tilespmem:s16+$0xFFFFFFC0];
	s29 =	sshll.u32 s13, $0x7;
	[tilespmem:s15+$0x810 ss:$0x81] =	vst.msk $0xffff, v5  }
0x14: {  	s17 =	sand.u32 $0x7F8000, s26;
	s28 =	sand.u32 $0x7FFC00, s19;
	s19 =	sand.u32 $0xC00, s19;
	[tilespmem:s15+$0x1020 ss:$0x81] =	vst.msk $0xffff, v58  }
0x15: {  	s13 =	sand.u32 $0x380, s29;
	s16 =	sadd.s32 s28, s17;
	s30 =	sor.u32 s27, s19;
	[tilespmem:s15+$0x1830 ss:$0x81] =	vst.msk $0xffff, v59  }
0x16: {  	s16 =	sand.u32 $0x7FF000, s16;
	s13 =	sor.u32 s13, s30;
	[tilespmem:s15+$0x2040 ss:$0x81] =	vst.msk $0xffff, v60  }
0x17: {  	s31 =	sand.u32 $0x7, s12;
	s13 =	sor.u32 s16, s13;
	[tilespmem:s15+$0x2850 ss:$0x81] =	vst.msk $0xffff, v61  }
0x18: {  	s12 =	sshll.u32 s31, $0x12;
	[tilespmem:s15+$0x3060 ss:$0x81] =	vst.msk $0xffff, v62;
	s13 =	sshrl.u32 s13, $0x3  }
0x19: {  	s12 =	sor.u32 $0x400, s12;
	[tilespmem:s15+$0x0 ss:$0x81] =	vst.msk $0xffff, v63;
	s13 =	sadd.s32 s6, s13  }
0x1a: {  	[hbm4b:s13+s12] =	stream.strided.scatter [tilespmem:s14], [sflag:$0x2], $0x4000, s8, s12, $0x20;
	[tilespmem:$0x10100] =	vst v63  }
.LBB1_5:
0x1b: {  	s14 =	sadd.s32 $0x80, s9  }
0x1c: {  	s12 =	sadd.s32 $0x1000, s10;
	s16 =	smov.u32 s10;
	p2 =	sgt.s32 s14, $0x7FF  }
0x1d: {  	s16 =	smov.u32 @p2 s12  }
0x1e: {  	s14 =	simm.s32 @p2 $0x0;
	p2 =	sgt.s32 s16, $0xFFF  }
0x1f: {  	s16 =	smov.u32 @p2 s2;
	p2 =	sne.s32 s11, s7  }
.Ltmp1:
0x20: {  	p1 =	slt.u32 s11, $0x2;
	(pc) =	sbr.rel @!p2 .LBB1_6-.Ltmp1, $4  }
0x21: {  	s15 =	simm.s32 @!p1 $0x2  }
0x22: {  	s13 =	smov.u32 s9;
	p0 =	por !p0, !p0;
	_ =	swait.ge @!p1 [sflag:s15], $0x4000  }
0x23: {  	s12 =	smov.u32 s10;
	[sflag:s15] =	ssyncset.done @!p1 $0x0;
	s9 =	smov.u32 s14  }
0x24: {  	s11 =	sadd.s32 $0x1, s11;
	[sflag:s15] =	ssyncadd.s32 @!p1 $0xFFFFC000;
	s10 =	smov.u32 s16  }
.LBB1_1:
0x25: {  	p1 =	sge.u32 s11, s5;
	s31 =	sadd.s32 $0xFFFFFFFF, s11  }
0x26: {  	s14 =	sand.u32 @!p1 $0x78, s9;
	s15 =	sshll.u32 @!p1 s10, $0xB;
	s16 =	sshll.u32 @!p1 s10, $0x7  }
0x27: {  	s17 =	sshll.u32 @!p1 s9, $0x3;
	s15 =	sand.u32 @!p1 $0x7FC000, s15;
	s16 =	sand.u32 @!p1 $0x380, s16  }
0x28: {  	s15 =	sadd.s32 @!p1 s15, s17;
	s17 =	sand.u32 @!p1 $0x400, s17;
	s14 =	sor.u32 @!p1 s16, s14  }
0x29: {  	s16 =	sxor.u32 @!p1 $0xFFFFFFFF, s11;
	s15 =	sand.u32 @!p1 $0x7FF800, s15;
	s14 =	sor.u32 @!p1 s17, s14  }
0x2a: {  	s16 =	sshll.u32 @!p1 s16, $0xE;
	s14 =	sor.u32 @!p1 s15, s14;
	s15 =	sand.u32 @!p1 $0x7, s9  }
0x2b: {  	s17 =	simm.s32 @!p1 $0x4000;
	s14 =	sshrl.u32 @!p1 s14, $0x3;
	s15 =	sshll.u32 @!p1 s15, $0x12  }
0x2c: {  	s16 =	sand.u32 @!p1 $0x4000, s16;
	s14 =	sadd.s32 @!p1 s3, s14;
	s15 =	sor.u32 @!p1 $0x400, s15  }
0x2d: {  	[tilespmem:s16], [sflag:$0x1] =	stream.strided.gather @!p1 [hbm4b:s14+s15], $0x4000, s17, s15, $0x38;
	[tilespmem:$0x10100] =	vst v63  }
0x2e: {  	p1 =	sge.u32 s31, s5  }
.Ltmp2:
0x2f: {  	_ = 	snop;
	(pc) =	sbr.rel @p1 .LBB1_5-.Ltmp2, $1  }
0x30: {  	_ =	sdelay $0x3  }
0x31: {  	s14 =	simm.s32 $0x1  }
0x32: {  	_ =	swait.ge [sflag:s4], $0x4000;
	s14 =	simm.s32 @!p0 $0x0  }
0x33: {  	[sflag:s4] =	ssyncset.done $0x0;
	s15 =	sshll.u32 s14, $0xE  }
0x34: {  	[sflag:s4] =	ssyncadd.s32 $0xFFFFC000;
	s16 =	sor.u32 $0x40, s15  }
0x35: {  	s14 =	smul.u32 $0x10200, s14;
	v0 =	vld [tilespmem:s16+$0x30]  }
0x36: {  	v3 =	vld [tilespmem:s16+$0xFFFFFFD0]  }
0x37: {  	s14 =	sshrl.u32 s14, $0x2;
	v4 =	vld [tilespmem:s16+$0xFFFFFFE0]  }
0x38: {  	v5 =	vld [tilespmem:s16+$0xFFFFFFF0];
	s15 =	sor.u32 $0x8000, s14  }
0x39: {  	s31 =	sand.u32 $0x1, s11;
	v1 =	vld [tilespmem:s16+$0x0];
	s17 =	sadd.s32 $0x0, s15  }
0x3a: {  	v2 =	vld [tilespmem:s16+$0x10];
	s14 =	smul.u32 $0x10200, s31;
	[tilespmem:s17+$0x3870 ss:$0x81] =	vst.msk $0xffff, v0  }
0x3b: {  	[tilespmem:s17+$0x810 ss:$0x81] =	vst.msk $0xffff, v3;
	v3 =	vld [tilespmem:s16+$0x20]  }
0x3c: {  	s14 =	sshrl.u32 s14, $0x2;
	v0 =	vld [tilespmem:s16+$0xFFFFFFC0];
	[tilespmem:s17+$0x1020 ss:$0x81] =	vst.msk $0xffff, v4;
	s16 =	sadd.s32 $0x80, s16  }
0x3d: {  	s18 =	simm.s32 $0x4;
	s19 =	simm.s32 $0x8;
	s14 =	sor.u32 $0x8000, s14;
	[tilespmem:s17+$0x1830 ss:$0x81] =	vst.msk $0xffff, v5;
	v4 =	vld [tilespmem:s16+$0x30]  }
.LBB1_3:
0x3e: {  	p1 =	sne.s32 s19, $0x1FC;
	v5 =	vld [tilespmem:s16+$0xFFFFFFD0];
	[tilespmem:s17+$0x2040 ss:$0x81] =	vst.msk $0xffff, v1  }
0x3f: {  	v6 =	vld [tilespmem:s16+$0xFFFFFFE0];
	[tilespmem:s17+$0x2850 ss:$0x81] =	vst.msk $0xffff, v2  }
0x40: {  	s20 =	sshra.s32 s18, $0x2;
	s18 =	smov.u32 s19;
	v7 =	vld [tilespmem:s16+$0xFFFFFFF0];
	[tilespmem:s17+$0x3060 ss:$0x81] =	vst.msk $0xffff, v3  }
.Ltmp3:
0x41: {  	v1 =	vld [tilespmem:s16+$0x0];
	[tilespmem:s17+$0x0 ss:$0x81] =	vst.msk $0xffff, v0;
	s17 =	sadd.s32 s20, s15;
	(pc) =	sbr.rel @p1 .LBB1_3-.Ltmp3, $4  }
0x42: {  	v2 =	vld [tilespmem:s16+$0x10];
	[tilespmem:s17+$0x3870 ss:$0x81] =	vst.msk $0xffff, v4  }
0x43: {  	[tilespmem:s17+$0x810 ss:$0x81] =	vst.msk $0xffff, v5;
	v3 =	vld [tilespmem:s16+$0x20]  }
0x44: {  	v0 =	vld [tilespmem:s16+$0xFFFFFFC0];
	[tilespmem:s17+$0x1020 ss:$0x81] =	vst.msk $0xffff, v6;
	s16 =	sadd.s32 $0x80, s16  }
0x45: {  	s19 =	sadd.s32 $0x4, s19;
	v4 =	vld [tilespmem:s16+$0x30];
	[tilespmem:s17+$0x1830 ss:$0x81] =	vst.msk $0xffff, v7  }
.Ltmp4:
0x46: {  	_ = 	snop;
	(pc) =	sbr.rel .LBB1_4-.Ltmp4, $1  }
0x47: {  	_ =	sdelay $0x3  }
.LBB1_6:
0x48: {  	_ =	sfence.sel $0x180000  }
0x49: {  	s2 =	simm.s32 $0x1;
	[bflag:$0x0] =	sbarrier.arrive $0xFFFF  }
0x4a: {  	s31 =	simm.s32 $0x2;
	[sflag:s2] =	ssyncpa.u1 $0x1  }
0x4b: {  	[sflag:s31] =	ssyncpa.u1 $0x1  }
0x4c: {  	p0 =	sne.s32 s0, $0x0;
	_ =	strace $0x90000053  }
0x4d: {  	s0 =	sadd.s32 @!p0 $0x100000, s1;
	[bflag:$0x2] =	sbarrier.arrive $0xFFFF  }
0x4e: {  	[sflag:s0] =	ssyncadd.tile.s32 @!p0 $0x1;
	_ =	shalt  }
.Lfunc_end1:
_tile_overlayer_lowered:
.L_overlay_start_2:
0x4f: {  	(tag) =	ssettag $0x2  }
0x50: {  	s0 =	rddreg [dreg:$0x0];
	s2 =	stileid.u32  }
0x51: {  	s1 =	rddreg [dreg:$0x1];
	p0 =	sne.s32 s2, $0x0  }
0x52: {  	s3 =	rddreg [dreg:$0x2];
	[bflag:$0x3] =	sbarrier.arrive $0xFFFF;
	s2 =	simm.s32 @!p0 $0x1C01  }
0x53: {  	[timem:s3], [sflag:s2] =	dma.local @!p0 [hbm:s0], s1  }
0x54: {  	s0 =	simm.s32 @!p0 $0x1  }
0x55: {  	_ =	swait.ge @!p0 [sflag:s0], s1  }
0x56: {  	s1 =	ssub.s32 @!p0 $0x0, s1;
	[sflag:s0] =	ssyncset.done @!p0 $0x0  }
0x57: {  	[sflag:s0] =	ssyncadd.s32 @!p0 s1  }
0x58: {  	[bflag:$0x3] =	sbarrier.arrive $0xFFFF  }
0x59: {  	_ =	shalt  }

// kernel: sparse-core-data-format-call.2.cloned.1.call-start
scs
called_computation.2_lowered:
.L_overlay_start_0:
0x0: {  	s1 =	sld [smem:$0x3FD9]  }
0x1: {  	s2 =	sld [smem:$0x3FFE];
	_ =	sdelay $0x1  }
0x2: {  	s3 =	srdreg.scid  }
0x3: {  	s0 =	sand.u32 $0x1, s3  }
0x4: {  	s17 =	sshll.u32 s0, $0xA;
	s1 =	sadd.s32 s2, s1  }
0x5: {  	s1 =	sadd.s32 s1, s17  }
0x6: {  	[smem:$0x3F88] =	sst s1  }
0x7: {  	_ = 	snop  }
0x8: {  	(tm) =	ssettm $0x1  }
0x9: {  	s18 =	sld [smem:$0x3FFB];
	_ =	sdelay $0x3  }
0xa: {  	_ =	strace s18  }
0xb: {  	s1 =	sld [smem:$0x3FFC];
	_ =	sdelay $0x3  }
0xc: {  	_ =	strace s1  }
0xd: {  	s1 =	sld [smem:$0x3FFD];
	_ =	sdelay $0x3  }
0xe: {  	_ =	strace s1  }
0xf: {  	_ =	strace $0x8FFFFFFF  }
0x10: {  	s19 =	sld [smem:$0x3FDB];
	_ =	sdelay $0x1  }
0x11: {  	s20 =	simm.s32 $_scs_section_size  }
0x12: {  	s4 =	simm.s32 $_size__tile_overlayer_lowered;
	s5 =	simm.s32 $_tile_overlayer_lowered  }
0x13: {  	s23 =	simm.s32 $0x1BFF;
	s22 =	sshll.u32 s5, $0x1;
	s1 =	sadd.s32 s20, s19  }
0x14: {  	s6 =	simm.s32 $0x0;
	s21 =	sshll.u32 s4, $0x1;
	s4 =	sadd.s32 s22, s1  }
0x15: {  	[timem:s6], [sflag:s23] =	dma.local [hbm:s4], s21  }
0x16: {  	_ =	swait.ge [sflag:s23], s21  }
0x17: {  	s2 =	ssub.s32 $0x0, s21;
	[sflag:s23] =	ssyncset.done $0x0  }
0x18: {  	[sflag:s23] =	ssyncadd.s32 s2;
	_ =	sdelay $0x1  }
0x19: {  	s24 =	simm.s32 $0x1B8B  }
0x1a: {  	_ =	swait.ge [sflag:s24], $0x1  }
0x1b: {  	[sflag:s24] =	ssyncset.done $0x0  }
0x1c: {  	s26 =	simm.s32 $0x1B8E;
	s25 =	sld [smem:$0x3FFE];
	[sflag:s24] =	ssyncadd.s32 $0xFFFFFFFF  }
0x1d: {  	s27 =	simm.s32 $execute0_lowered;
	[smem:$0x3FD2] =	sst s26  }
0x1e: {  	s4 =	sshll.u32 s27, $0x1;
	_ =	strace $0x8000004F;
	[dreg:$0x1] =	wrdreg $0xFFFFFFFF  }
0x1f: {  	s28 =	simm.s32 $_size_execute0_lowered;
	s1 =	sadd.s32 s1, s4;
	[dreg:$0x0] =	wrdreg $0x0  }
0x20: {  	s4 =	sshll.u32 s28, $0x1;
	[dreg:$0x2] =	wrdreg s1  }
0x21: {  	[dreg:$0x3] =	wrdreg s4  }
0x22: {  	[dreg:$0x4] =	wrdreg $0xC0  }
0x23: {  	_ =	task [dreg:s6], $0x5FFFF  }
0x24: {  	[dreg:$0x1] =	wrdreg $0xFFFFFFFF  }
0x25: {  	[dreg:$0x0] =	wrdreg $0x60  }
0x26: {  	[dreg:$0x2] =	wrdreg s25  }
0x27: {  	[dreg:$0x3] =	wrdreg $0xB  }
0x28: {  	_ =	task.clear_ibuf [dreg:s6], $0x4FFFF;
	_ =	strace $0x9000004F  }
0x29: {  	s29 =	simm.s32 $0xB;
	_ =	strace $0x80000051  }
0x2a: {  	_ =	swait.ge [sflag:s29], $0x1  }
0x2b: {  	[sflag:s29] =	ssyncadd.s32 $0xFFFFFFFF  }
0x2c: {  	_ =	strace $0x90000051  }
0x2d: {  	_ =	sfence  }
0x2e: {  	s30 =	sld [smem:$0x0];
	_ =	sdelay $0x2  }
0x2f: {  	s31 =	sshll.u32 s3, $0xD;
	s3 =	sshrl.u32 s3, $0x2  }
0x30: {  	s2 =	sand.u32 $0x4000, s31;
	s1 =	sadd.s32 s3, s30  }
0x31: {  	s0 =	sor.u32 s2, s0;
	s1 =	sshll.u32 s1, $0x11  }
0x32: {  	s0 =	sor.u32 s1, s0  }
0x33: {  	s0 =	sadd.s32 $0x8F2B, s0  }
0x34: {  	[sflag:s0] =	ssyncadd.remote.s32 $0x1  }
0x35: {  	_ =	sfence.sel $0xFFFF  }
0x36: {  	[dreg:$0x0] =	wrdreg $0xFFFFFFFF;
	(pc) =	sbr.abs _section_cstart, $3  }
0x37: {  	[dreg:$0x1] =	wrdreg $0xFFFFFFFF  }
0x38: {  	_ =	task.clear_ibuf [dreg:s6], $0x2FFFF;
	_ =	strace $0x9FFFFFFF  }
0x39: {  	(tm) =	ssettm $0x7FFFFFFF  }
tec
execute0_lowered:
.L_overlay_start_1:
0x0: {  	(tag) =	ssettag $0x1  }
0x1: {  	s7 =	rddreg [dreg:$0x0]  }
0x2: {  	s1 =	stileid.u32;
	s3 =	srdreg.scid  }
0x3: {  	s0 =	rddreg [dreg:$0x1];
	_ =	strace $0x80000050;
	s8 =	simm.s32 $0x1  }
0x4: {  	s31 =	simm.s32 $0x2;
	s14 =	simm.s32 $0x0;
	s13 =	simm.s32 $0x0  }
0x5: {  	s12 =	simm.s32 $0x0;
	s2 =	sshll.u32 s1, $0x7;
	s3 =	sshll.u32 s3, $0x7  }
0x6: {  	s3 =	sand.u32 $0x80, s3;
	s4 =	ssub.s32 $0x800, s2;
	s11 =	smov.u32 s2  }
0x7: {  	s5 =	sshrl.u32 s4, $0xB;
	s4 =	sand.u32 $0x780, s4;
	s6 =	ssub.s32 $0x1000, s3  }
0x8: {  	p0 =	sne.s32 s4, $0x0;
	s30 =	sshrl.u32 s6, $0x7;
	s6 =	sshrl.u32 s6, $0x8  }
.Ltmp0:
0x9: {  	s8 =	simm.s32 @!p0 $0x0;
	s9 =	sand.u32 $0x1, s30;
	(pc) =	sbr.rel .LBB1_1-.Ltmp0, $4  }
0xa: {  	s4 =	simm.s32 $0x1;
	s5 =	sadd.s32 s8, s5;
	s6 =	sadd.s32 s6, s9  }
0xb: {  	s10 =	smov.u32 s3;
	[sflag:s4] =	ssyncpa.u1 $0x0;
	s5 =	smul.u32 s5, s6  }
0xc: {  	p0 =	por $0x0, $0x0;
	[sflag:s31] =	ssyncpa.u1 $0x0;
	s9 =	simm.s32 $0x4000  }
0xd: {  	s6 =	sadd.s32 $0x8F0C00, s7;
	s7 =	sadd.s32 $0x9F0C00, s7;
	s8 =	sadd.s32 $0x1, s5  }
.LBB1_4:
0xe: {  	v5 =	vld [tilespmem:s17+$0xFFFFFFD0]  }
0xf: {  	[tilespmem:s18+$0x2040 ss:$0x81] =	vst.msk $0xffff, v1;
	v58 =	vld [tilespmem:s17+$0xFFFFFFE0]  }
0x10: {  	[tilespmem:s18+$0x2850 ss:$0x81] =	vst.msk $0xffff, v2;
	v59 =	vld [tilespmem:s17+$0xFFFFFFF0]  }
0x11: {  	s19 =	sshra.s32 s19, $0x2;
	[tilespmem:s18+$0x3060 ss:$0x81] =	vst.msk $0xffff, v3;
	v60 =	vld [tilespmem:s17+$0x0]  }
0x12: {  	[tilespmem:s18+$0x0 ss:$0x81] =	vst.msk $0xffff, v0;
	v61 =	vld [tilespmem:s17+$0x10];
	s16 =	sadd.s32 s19, s16  }
0x13: {  	s26 =	sshll.u32 s14, $0xB;
	v62 =	vld [tilespmem:s17+$0x20];
	[tilespmem:s16+$0x3870 ss:$0x81] =	vst.msk $0xffff, v4  }
0x14: {  	s27 =	sand.u32 $0x78, s13;
	s20 =	sshll.u32 s13, $0x3;
	v63 =	vld [tilespmem:s17+$0xFFFFFFC0];
	s29 =	sshll.u32 s14, $0x7;
	[tilespmem:s16+$0x810 ss:$0x81] =	vst.msk $0xffff, v5  }
0x15: {  	s18 =	sand.u32 $0x7FC000, s26;
	s28 =	sand.u32 $0x7FFC00, s20;
	s20 =	sand.u32 $0x400, s20;
	[tilespmem:s16+$0x1020 ss:$0x81] =	vst.msk $0xffff, v58  }
0x16: {  	s14 =	sand.u32 $0x380, s29;
	s17 =	sadd.s32 s28, s18;
	s30 =	sor.u32 s27, s20;
	[tilespmem:s16+$0x1830 ss:$0x81] =	vst.msk $0xffff, v59  }
0x17: {  	s17 =	sand.u32 $0x7FF800, s17;
	s14 =	sor.u32 s14, s30;
	[tilespmem:s16+$0x2040 ss:$0x81] =	vst.msk $0xffff, v60  }
0x18: {  	s31 =	sand.u32 $0x7, s13;
	s14 =	sor.u32 s17, s14;
	[tilespmem:s16+$0x2850 ss:$0x81] =	vst.msk $0xffff, v61  }
0x19: {  	s13 =	sshll.u32 s31, $0x12;
	[tilespmem:s16+$0x3060 ss:$0x81] =	vst.msk $0xffff, v62;
	s14 =	sshrl.u32 s14, $0x3  }
0x1a: {  	s13 =	sor.u32 $0x400, s13;
	[tilespmem:s16+$0x0 ss:$0x81] =	vst.msk $0xffff, v63;
	s14 =	sadd.s32 s7, s14  }
0x1b: {  	[hbm4b:s14+s13] =	stream.strided.scatter [tilespmem:s15], [sflag:$0x2], $0x4000, s9, s13, $0x20;
	[tilespmem:$0x10100] =	vst v63  }
.LBB1_5:
0x1c: {  	s15 =	sadd.s32 $0x100, s10  }
0x1d: {  	s13 =	sadd.s32 $0x800, s11;
	s17 =	smov.u32 s11;
	p2 =	sgt.s32 s15, $0xFFF  }
0x1e: {  	s17 =	smov.u32 @p2 s13  }
0x1f: {  	s15 =	smov.u32 @p2 s3;
	p2 =	sgt.s32 s17, $0x7FF  }
0x20: {  	s17 =	smov.u32 @p2 s2;
	p2 =	sne.s32 s12, s8  }
.Ltmp1:
0x21: {  	p1 =	slt.u32 s12, $0x2;
	(pc) =	sbr.rel @!p2 .LBB1_6-.Ltmp1, $4  }
0x22: {  	s16 =	simm.s32 @!p1 $0x2  }
0x23: {  	s14 =	smov.u32 s10;
	p0 =	por !p0, !p0;
	_ =	swait.ge @!p1 [sflag:s16], $0x4000  }
0x24: {  	s13 =	smov.u32 s11;
	[sflag:s16] =	ssyncset.done @!p1 $0x0;
	s10 =	smov.u32 s15  }
0x25: {  	s12 =	sadd.s32 $0x1, s12;
	[sflag:s16] =	ssyncadd.s32 @!p1 $0xFFFFC000;
	s11 =	smov.u32 s17  }
.LBB1_1:
0x26: {  	p1 =	sge.u32 s12, s5;
	s31 =	sadd.s32 $0xFFFFFFFF, s12  }
0x27: {  	s15 =	sand.u32 @!p1 $0x78, s10;
	s16 =	sshll.u32 @!p1 s11, $0xC;
	s17 =	sshll.u32 @!p1 s11, $0x7  }
0x28: {  	s18 =	sshll.u32 @!p1 s10, $0x3;
	s16 =	sand.u32 @!p1 $0x7F8000, s16;
	s17 =	sand.u32 @!p1 $0x380, s17  }
0x29: {  	s16 =	sadd.s32 @!p1 s16, s18;
	s18 =	sand.u32 @!p1 $0xC00, s18;
	s15 =	sor.u32 @!p1 s17, s15  }
0x2a: {  	s17 =	sxor.u32 @!p1 $0xFFFFFFFF, s12;
	s16 =	sand.u32 @!p1 $0x7FF000, s16;
	s15 =	sor.u32 @!p1 s18, s15  }
0x2b: {  	s17 =	sshll.u32 @!p1 s17, $0xE;
	s15 =	sor.u32 @!p1 s16, s15;
	s16 =	sand.u32 @!p1 $0x7, s10  }
0x2c: {  	s18 =	simm.s32 @!p1 $0x8000;
	s15 =	sshrl.u32 @!p1 s15, $0x3;
	s16 =	sshll.u32 @!p1 s16, $0x12  }
0x2d: {  	s17 =	sand.u32 @!p1 $0x4000, s17;
	s15 =	sadd.s32 @!p1 s6, s15;
	s16 =	sor.u32 @!p1 $0x400, s16  }
0x2e: {  	[tilespmem:s17], [sflag:$0x1] =	stream.strided.gather @!p1 [hbm4b:s15+s16], $0x4000, s18, s16, $0x38;
	[tilespmem:$0x10100] =	vst v63  }
0x2f: {  	p1 =	sge.u32 s31, s5  }
.Ltmp2:
0x30: {  	_ = 	snop;
	(pc) =	sbr.rel @p1 .LBB1_5-.Ltmp2, $1  }
0x31: {  	_ =	sdelay $0x3  }
0x32: {  	s15 =	simm.s32 $0x1  }
0x33: {  	_ =	swait.ge [sflag:s4], $0x4000;
	s15 =	simm.s32 @!p0 $0x0  }
0x34: {  	[sflag:s4] =	ssyncset.done $0x0;
	s16 =	sshll.u32 s15, $0xE  }
0x35: {  	[sflag:s4] =	ssyncadd.s32 $0xFFFFC000;
	s17 =	sor.u32 $0x40, s16  }
0x36: {  	s15 =	smul.u32 $0x10200, s15;
	v0 =	vld [tilespmem:s17+$0x30]  }
0x37: {  	v3 =	vld [tilespmem:s17+$0xFFFFFFD0]  }
0x38: {  	s15 =	sshrl.u32 s15, $0x2;
	v4 =	vld [tilespmem:s17+$0xFFFFFFE0]  }
0x39: {  	v5 =	vld [tilespmem:s17+$0xFFFFFFF0];
	s16 =	sor.u32 $0x8000, s15  }
0x3a: {  	s31 =	sand.u32 $0x1, s12;
	v1 =	vld [tilespmem:s17+$0x0];
	s18 =	sadd.s32 $0x0, s16  }
0x3b: {  	v2 =	vld [tilespmem:s17+$0x10];
	s15 =	smul.u32 $0x10200, s31;
	[tilespmem:s18+$0x3870 ss:$0x81] =	vst.msk $0xffff, v0  }
0x3c: {  	[tilespmem:s18+$0x810 ss:$0x81] =	vst.msk $0xffff, v3;
	v3 =	vld [tilespmem:s17+$0x20]  }
0x3d: {  	s15 =	sshrl.u32 s15, $0x2;
	v0 =	vld [tilespmem:s17+$0xFFFFFFC0];
	[tilespmem:s18+$0x1020 ss:$0x81] =	vst.msk $0xffff, v4;
	s17 =	sadd.s32 $0x80, s17  }
0x3e: {  	s19 =	simm.s32 $0x4;
	s20 =	simm.s32 $0x8;
	s15 =	sor.u32 $0x8000, s15;
	[tilespmem:s18+$0x1830 ss:$0x81] =	vst.msk $0xffff, v5;
	v4 =	vld [tilespmem:s17+$0x30]  }
.LBB1_3:
0x3f: {  	p1 =	sne.s32 s20, $0x1FC;
	v5 =	vld [tilespmem:s17+$0xFFFFFFD0];
	[tilespmem:s18+$0x2040 ss:$0x81] =	vst.msk $0xffff, v1  }
0x40: {  	v6 =	vld [tilespmem:s17+$0xFFFFFFE0];
	[tilespmem:s18+$0x2850 ss:$0x81] =	vst.msk $0xffff, v2  }
0x41: {  	s21 =	sshra.s32 s19, $0x2;
	s19 =	smov.u32 s20;
	v7 =	vld [tilespmem:s17+$0xFFFFFFF0];
	[tilespmem:s18+$0x3060 ss:$0x81] =	vst.msk $0xffff, v3  }
.Ltmp3:
0x42: {  	v1 =	vld [tilespmem:s17+$0x0];
	[tilespmem:s18+$0x0 ss:$0x81] =	vst.msk $0xffff, v0;
	s18 =	sadd.s32 s21, s16;
	(pc) =	sbr.rel @p1 .LBB1_3-.Ltmp3, $4  }
0x43: {  	v2 =	vld [tilespmem:s17+$0x10];
	[tilespmem:s18+$0x3870 ss:$0x81] =	vst.msk $0xffff, v4  }
0x44: {  	[tilespmem:s18+$0x810 ss:$0x81] =	vst.msk $0xffff, v5;
	v3 =	vld [tilespmem:s17+$0x20]  }
0x45: {  	v0 =	vld [tilespmem:s17+$0xFFFFFFC0];
	[tilespmem:s18+$0x1020 ss:$0x81] =	vst.msk $0xffff, v6;
	s17 =	sadd.s32 $0x80, s17  }
0x46: {  	s20 =	sadd.s32 $0x4, s20;
	v4 =	vld [tilespmem:s17+$0x30];
	[tilespmem:s18+$0x1830 ss:$0x81] =	vst.msk $0xffff, v7  }
.Ltmp4:
0x47: {  	_ = 	snop;
	(pc) =	sbr.rel .LBB1_4-.Ltmp4, $1  }
0x48: {  	_ =	sdelay $0x3  }
.LBB1_6:
0x49: {  	_ =	sfence.sel $0x180000  }
0x4a: {  	s2 =	simm.s32 $0x1;
	[bflag:$0x0] =	sbarrier.arrive $0xFFFF  }
0x4b: {  	s31 =	simm.s32 $0x2;
	[sflag:s2] =	ssyncpa.u1 $0x1  }
0x4c: {  	[sflag:s31] =	ssyncpa.u1 $0x1  }
0x4d: {  	p0 =	sne.s32 s1, $0x0;
	_ =	strace $0x90000050  }
0x4e: {  	s0 =	sadd.s32 @!p0 $0x100000, s0;
	[bflag:$0x2] =	sbarrier.arrive $0xFFFF  }
0x4f: {  	[sflag:s0] =	ssyncadd.tile.s32 @!p0 $0x1;
	_ =	shalt  }
.Lfunc_end1:
_tile_overlayer_lowered:
.L_overlay_start_2:
0x50: {  	(tag) =	ssettag $0x2  }
0x51: {  	s0 =	rddreg [dreg:$0x0];
	s2 =	stileid.u32  }
0x52: {  	s1 =	rddreg [dreg:$0x1];
	p0 =	sne.s32 s2, $0x0  }
0x53: {  	s3 =	rddreg [dreg:$0x2];
	[bflag:$0x3] =	sbarrier.arrive $0xFFFF;
	s2 =	simm.s32 @!p0 $0x1C01  }
0x54: {  	[timem:s3], [sflag:s2] =	dma.local @!p0 [hbm:s0], s1  }
0x55: {  	s0 =	simm.s32 @!p0 $0x1  }
0x56: {  	_ =	swait.ge @!p0 [sflag:s0], s1  }
0x57: {  	s1 =	ssub.s32 @!p0 $0x0, s1;
	[sflag:s0] =	ssyncset.done @!p0 $0x0  }
0x58: {  	[sflag:s0] =	ssyncadd.s32 @!p0 s1  }
0x59: {  	[bflag:$0x3] =	sbarrier.arrive $0xFFFF  }
0x5a: {  	_ =	shalt  }

// kernel: sparse-core-data-format-call.3.cloned.1.call-start
scs
called_computation.3_lowered:
.L_overlay_start_0:
0x0: {  	s2 =	sld [smem:$0x3FD9]  }
0x1: {  	s3 =	sld [smem:$0x3FFE];
	_ =	sdelay $0x1  }
0x2: {  	s1 =	srdreg.scid  }
0x3: {  	s0 =	sand.u32 $0x1, s1  }
0x4: {  	s18 =	sshll.u32 s0, $0xA;
	s2 =	sadd.s32 s3, s2  }
0x5: {  	s2 =	sadd.s32 s2, s18  }
0x6: {  	[smem:$0x3F88] =	sst s2  }
0x7: {  	_ = 	snop  }
0x8: {  	(tm) =	ssettm $0x1  }
0x9: {  	s19 =	sld [smem:$0x3FFB];
	_ =	sdelay $0x3  }
0xa: {  	_ =	strace s19  }
0xb: {  	s2 =	sld [smem:$0x3FFC];
	_ =	sdelay $0x3  }
0xc: {  	_ =	strace s2  }
0xd: {  	s2 =	sld [smem:$0x3FFD];
	_ =	sdelay $0x3  }
0xe: {  	_ =	strace s2  }
0xf: {  	_ =	strace $0x8FFFFFFF  }
0x10: {  	s20 =	sld [smem:$0x3FDB];
	_ =	sdelay $0x1  }
0x11: {  	s21 =	simm.s32 $_scs_section_size  }
0x12: {  	s4 =	simm.s32 $_size__tile_overlayer_lowered;
	s5 =	simm.s32 $_tile_overlayer_lowered  }
0x13: {  	s6 =	simm.s32 $0x1BFF;
	s22 =	sshll.u32 s5, $0x1;
	s3 =	sadd.s32 s21, s20  }
0x14: {  	s23 =	simm.s32 $0x0;
	s4 =	sshll.u32 s4, $0x1;
	s5 =	sadd.s32 s22, s3  }
0x15: {  	[timem:s23], [sflag:s6] =	dma.local [hbm:s5], s4  }
0x16: {  	_ =	swait.ge [sflag:s6], s4  }
0x17: {  	s4 =	ssub.s32 $0x0, s4;
	[sflag:s6] =	ssyncset.done $0x0  }
0x18: {  	[sflag:s6] =	ssyncadd.s32 s4;
	_ =	sdelay $0x1  }
0x19: {  	s24 =	simm.s32 $0x1B8B  }
0x1a: {  	_ =	swait.ge [sflag:s24], $0x1  }
0x1b: {  	[sflag:s24] =	ssyncset.done $0x0  }
0x1c: {  	[sflag:s24] =	ssyncadd.s32 $0xFFFFFFFF  }
0x1d: {  	s4 =	sld [smem:$0x0]  }
0x1e: {  	s5 =	sand.u32 $0xFFFFFFFE, s1  }
0x1f: {  	p0 =	sne.s32 s1, s5  }
0x20: {  	s5 =	sshll.u32 @p0 s5, $0xE  }
0x21: {  	s5 =	sadd.s32 @p0 $0x11B8D, s5;
	s6 =	sshll.u32 @p0 s4, $0x11  }
0x22: {  	s5 =	sor.u32 @p0 s6, s5  }
0x23: {  	[sflag:s5] =	ssyncadd.remote.s32 @p0 $0x1;
	_ =	sdelay $0x1  }
0x24: {  	s5 =	simm.s32 @p0 $0x1B8D  }
0x25: {  	_ =	swait.eq @p0 [sflag:s5], $0x1  }
0x26: {  	[sflag:s5] =	ssyncadd.s32 @p0 $0xFFFFFFFF  }
0x27: {  	s6 =	sshll.u32 @!p0 s1, $0xE  }
0x28: {  	s6 =	sor.u32 @!p0 $0x4000, s6;
	s5 =	simm.s32 @!p0 $0x1B8D  }
0x29: {  	s4 =	sshll.u32 @!p0 s4, $0x11;
	s6 =	sadd.s32 @!p0 $0x11B8D, s6;
	_ =	swait.eq @!p0 [sflag:s5], $0x1  }
0x2a: {  	s4 =	sor.u32 @!p0 s4, s6;
	[sflag:s5] =	ssyncadd.s32 @!p0 $0xFFFFFFFF  }
0x2b: {  	s26 =	simm.s32 $0x1B8E;
	s25 =	sld [smem:$0x3FFE];
	[sflag:s4] =	ssyncadd.remote.s32 @!p0 $0x1  }
0x2c: {  	s27 =	simm.s32 $execute0_lowered;
	[smem:$0x3FD2] =	sst s26  }
0x2d: {  	s5 =	sshll.u32 s27, $0x1;
	_ =	strace $0x80000055;
	[dreg:$0x1] =	wrdreg $0xFFFFFFFF  }
0x2e: {  	s28 =	simm.s32 $_size_execute0_lowered;
	s3 =	sadd.s32 s3, s5;
	[dreg:$0x0] =	wrdreg $0x0  }
0x2f: {  	s5 =	sshll.u32 s28, $0x1;
	[dreg:$0x2] =	wrdreg s3  }
0x30: {  	[dreg:$0x3] =	wrdreg s5  }
0x31: {  	[dreg:$0x4] =	wrdreg $0xC0  }
0x32: {  	_ =	task [dreg:s23], $0x5FFFF  }
0x33: {  	[dreg:$0x1] =	wrdreg $0xFFFFFFFF  }
0x34: {  	[dreg:$0x0] =	wrdreg $0x60  }
0x35: {  	[dreg:$0x2] =	wrdreg s25  }
0x36: {  	[dreg:$0x3] =	wrdreg $0xC  }
0x37: {  	_ =	task.clear_ibuf [dreg:s23], $0x4FFFF;
	_ =	strace $0x90000055  }
0x38: {  	s29 =	simm.s32 $0xC;
	_ =	strace $0x80000057  }
0x39: {  	_ =	swait.ge [sflag:s29], $0x1  }
0x3a: {  	[sflag:s29] =	ssyncadd.s32 $0xFFFFFFFF  }
0x3b: {  	_ =	strace $0x90000057  }
0x3c: {  	_ =	sfence  }
0x3d: {  	s30 =	sld [smem:$0x0];
	_ =	sdelay $0x2  }
0x3e: {  	s31 =	sshll.u32 s1, $0xD;
	s1 =	sshrl.u32 s1, $0x2  }
0x3f: {  	s4 =	sand.u32 $0x4000, s31;
	s1 =	sadd.s32 s1, s30  }
0x40: {  	s0 =	sor.u32 s4, s0;
	s1 =	sshll.u32 s1, $0x11  }
0x41: {  	s0 =	sor.u32 s1, s0  }
0x42: {  	s0 =	sadd.s32 $0x8F2B, s0  }
0x43: {  	[sflag:s0] =	ssyncadd.remote.s32 $0x1  }
0x44: {  	_ =	sfence.sel $0xFFFF  }
0x45: {  	[dreg:$0x0] =	wrdreg $0xFFFFFFFF;
	(pc) =	sbr.abs _section_cstart, $3  }
0x46: {  	[dreg:$0x1] =	wrdreg $0xFFFFFFFF  }
0x47: {  	_ =	task.clear_ibuf [dreg:s23], $0x2FFFF;
	_ =	strace $0x9FFFFFFF  }
0x48: {  	(tm) =	ssettm $0x7FFFFFFF  }
0x49: {  	_ =	shalt  }
tec
execute0_lowered:
.L_overlay_start_1:
0x0: {  	(tag) =	ssettag $0x1  }
0x1: {  	s0 =	srdreg.scid  }
0x2: {  	s1 =	sshll.u32 s0, $0x4  }
0x3: {  	s6 =	rddreg [dreg:$0x0];
	s0 =	stileid.u32;
	s1 =	sand.u32 $0x10, s1  }
0x4: {  	s5 =	simm.s32 $0x1;
	s31 =	simm.s32 $0x2;
	s1 =	sor.u32 s0, s1  }
0x5: {  	s13 =	simm.s32 $0x0;
	s8 =	simm.s32 $0x8000;
	s2 =	sshll.u32 s1, $0x7  }
0x6: {  	s12 =	simm.s32 $0x0;
	s9 =	simm.s32 $0x0;
	s3 =	ssub.s32 $0x1000, s2  }
0x7: {  	s11 =	simm.s32 $0x0;
	s1 =	rddreg [dreg:$0x1];
	s4 =	sand.u32 $0xF80, s3  }
.Ltmp0:
0x8: {  	_ =	strace $0x80000056;
	p0 =	sne.s32 s4, $0x0;
	(pc) =	sbr.rel .LBB1_1-.Ltmp0, $4  }
0x9: {  	s10 =	smov.u32 s2;
	s7 =	sshrl.u32 s3, $0xC;
	s5 =	simm.s32 @!p0 $0x0  }
0xa: {  	s3 =	sadd.s32 $0x14F0C00, s6;
	s4 =	simm.s32 $0x1;
	s5 =	sadd.s32 s5, s7  }
0xb: {  	s6 =	sadd.s32 $0x18F0C00, s6;
	[sflag:s4] =	ssyncpa.u1 $0x0;
	s5 =	sshll.u32 s5, $0x6  }
0xc: {  	p0 =	por $0x0, $0x0;
	[sflag:s31] =	ssyncpa.u1 $0x0;
	s7 =	sor.u32 $0x1, s5  }
.LBB1_4:
0xd: {  	v5 =	vld [tilespmem:s16+$0xFFFFFFD0]  }
0xe: {  	[tilespmem:s17+$0x2040 ss:$0x81] =	vst.msk $0xffff, v1;
	v58 =	vld [tilespmem:s16+$0xFFFFFFE0]  }
0xf: {  	[tilespmem:s17+$0x2850 ss:$0x81] =	vst.msk $0xffff, v2;
	v59 =	vld [tilespmem:s16+$0xFFFFFFF0]  }
0x10: {  	s18 =	sshra.s32 s18, $0x2;
	[tilespmem:s17+$0x3060 ss:$0x81] =	vst.msk $0xffff, v3;
	v60 =	vld [tilespmem:s16+$0x0]  }
0x11: {  	[tilespmem:s17+$0x0 ss:$0x81] =	vst.msk $0xffff, v0;
	v61 =	vld [tilespmem:s16+$0x10];
	s15 =	sadd.s32 s18, s15  }
0x12: {  	s26 =	sshll.u32 s13, $0xC;
	v62 =	vld [tilespmem:s16+$0x20];
	[tilespmem:s15+$0x3870 ss:$0x81] =	vst.msk $0xffff, v4  }
0x13: {  	s27 =	sand.u32 $0x78, s12;
	s19 =	sshll.u32 s12, $0x3;
	v63 =	vld [tilespmem:s16+$0xFFFFFFC0];
	s29 =	sshll.u32 s13, $0x7;
	[tilespmem:s15+$0x810 ss:$0x81] =	vst.msk $0xffff, v5  }
0x14: {  	s17 =	sand.u32 $0x1FF8000, s26;
	s28 =	sand.u32 $0x1FFFC00, s19;
	s19 =	sand.u32 $0xC00, s19;
	[tilespmem:s15+$0x1020 ss:$0x81] =	vst.msk $0xffff, v58  }
0x15: {  	s13 =	sand.u32 $0x380, s29;
	s16 =	sadd.s32 s28, s17;
	s30 =	sor.u32 s27, s19;
	[tilespmem:s15+$0x1830 ss:$0x81] =	vst.msk $0xffff, v59  }
0x16: {  	s16 =	sand.u32 $0x1FFF000, s16;
	s13 =	sor.u32 s13, s30;
	[tilespmem:s15+$0x2040 ss:$0x81] =	vst.msk $0xffff, v60  }
0x17: {  	s31 =	sand.u32 $0x7, s12;
	s13 =	sor.u32 s16, s13;
	[tilespmem:s15+$0x2850 ss:$0x81] =	vst.msk $0xffff, v61  }
0x18: {  	s12 =	sshll.u32 s31, $0x12;
	[tilespmem:s15+$0x3060 ss:$0x81] =	vst.msk $0xffff, v62;
	s13 =	sshrl.u32 s13, $0x3  }
0x19: {  	s12 =	sor.u32 $0x400, s12;
	[tilespmem:s15+$0x0 ss:$0x81] =	vst.msk $0xffff, v63;
	s13 =	sadd.s32 s6, s13  }
0x1a: {  	[hbm4b:s13+s12] =	stream.strided.scatter [tilespmem:s14], [sflag:$0x2], $0x4000, s8, s12, $0x20;
	[tilespmem:$0x10100] =	vst v63  }
.LBB1_5:
0x1b: {  	s14 =	sadd.s32 $0x80, s9  }
0x1c: {  	s12 =	sadd.s32 $0x1000, s10;
	s16 =	smov.u32 s10;
	p2 =	sgt.s32 s14, $0x1FFF  }
0x1d: {  	s16 =	smov.u32 @p2 s12  }
0x1e: {  	s14 =	simm.s32 @p2 $0x0;
	p2 =	sgt.s32 s16, $0xFFF  }
0x1f: {  	s16 =	smov.u32 @p2 s2;
	p2 =	sne.s32 s11, s7  }
.Ltmp1:
0x20: {  	p1 =	slt.u32 s11, $0x2;
	(pc) =	sbr.rel @!p2 .LBB1_6-.Ltmp1, $4  }
0x21: {  	s15 =	simm.s32 @!p1 $0x2  }
0x22: {  	s13 =	smov.u32 s9;
	p0 =	por !p0, !p0;
	_ =	swait.ge @!p1 [sflag:s15], $0x4000  }
0x23: {  	s12 =	smov.u32 s10;
	[sflag:s15] =	ssyncset.done @!p1 $0x0;
	s9 =	smov.u32 s14  }
0x24: {  	s11 =	sadd.s32 $0x1, s11;
	[sflag:s15] =	ssyncadd.s32 @!p1 $0xFFFFC000;
	s10 =	smov.u32 s16  }
.LBB1_1:
0x25: {  	p1 =	sge.u32 s11, s5;
	s31 =	sadd.s32 $0xFFFFFFFF, s11  }
0x26: {  	s14 =	sand.u32 @!p1 $0x78, s9;
	s15 =	sshll.u32 @!p1 s10, $0xD;
	s16 =	sshll.u32 @!p1 s10, $0x7  }
0x27: {  	s17 =	sshll.u32 @!p1 s9, $0x3;
	s15 =	sand.u32 @!p1 $0x1FF0000, s15;
	s16 =	sand.u32 @!p1 $0x380, s16  }
0x28: {  	s15 =	sadd.s32 @!p1 s15, s17;
	s17 =	sand.u32 @!p1 $0x1C00, s17;
	s14 =	sor.u32 @!p1 s16, s14  }
0x29: {  	s16 =	sxor.u32 @!p1 $0xFFFFFFFF, s11;
	s15 =	sand.u32 @!p1 $0x1FFE000, s15;
	s14 =	sor.u32 @!p1 s17, s14  }
0x2a: {  	s16 =	sshll.u32 @!p1 s16, $0xE;
	s14 =	sor.u32 @!p1 s15, s14;
	s15 =	sand.u32 @!p1 $0x7, s9  }
0x2b: {  	s17 =	simm.s32 @!p1 $0x10000;
	s14 =	sshrl.u32 @!p1 s14, $0x3;
	s15 =	sshll.u32 @!p1 s15, $0x12  }
0x2c: {  	s16 =	sand.u32 @!p1 $0x4000, s16;
	s14 =	sadd.s32 @!p1 s3, s14;
	s15 =	sor.u32 @!p1 $0x400, s15  }
0x2d: {  	[tilespmem:s16], [sflag:$0x1] =	stream.strided.gather @!p1 [hbm4b:s14+s15], $0x4000, s17, s15, $0x38;
	[tilespmem:$0x10100] =	vst v63  }
0x2e: {  	p1 =	sge.u32 s31, s5  }
.Ltmp2:
0x2f: {  	_ = 	snop;
	(pc) =	sbr.rel @p1 .LBB1_5-.Ltmp2, $1  }
0x30: {  	_ =	sdelay $0x3  }
0x31: {  	s14 =	simm.s32 $0x1  }
0x32: {  	_ =	swait.ge [sflag:s4], $0x4000;
	s14 =	simm.s32 @!p0 $0x0  }
0x33: {  	[sflag:s4] =	ssyncset.done $0x0;
	s15 =	sshll.u32 s14, $0xE  }
0x34: {  	[sflag:s4] =	ssyncadd.s32 $0xFFFFC000;
	s16 =	sor.u32 $0x40, s15  }
0x35: {  	s14 =	smul.u32 $0x10200, s14;
	v0 =	vld [tilespmem:s16+$0x30]  }
0x36: {  	v3 =	vld [tilespmem:s16+$0xFFFFFFD0]  }
0x37: {  	s14 =	sshrl.u32 s14, $0x2;
	v4 =	vld [tilespmem:s16+$0xFFFFFFE0]  }
0x38: {  	v5 =	vld [tilespmem:s16+$0xFFFFFFF0];
	s15 =	sor.u32 $0x8000, s14  }
0x39: {  	s31 =	sand.u32 $0x1, s11;
	v1 =	vld [tilespmem:s16+$0x0];
	s17 =	sadd.s32 $0x0, s15  }
0x3a: {  	v2 =	vld [tilespmem:s16+$0x10];
	s14 =	smul.u32 $0x10200, s31;
	[tilespmem:s17+$0x3870 ss:$0x81] =	vst.msk $0xffff, v0  }
0x3b: {  	[tilespmem:s17+$0x810 ss:$0x81] =	vst.msk $0xffff, v3;
	v3 =	vld [tilespmem:s16+$0x20]  }
0x3c: {  	s14 =	sshrl.u32 s14, $0x2;
	v0 =	vld [tilespmem:s16+$0xFFFFFFC0];
	[tilespmem:s17+$0x1020 ss:$0x81] =	vst.msk $0xffff, v4;
	s16 =	sadd.s32 $0x80, s16  }
0x3d: {  	s18 =	simm.s32 $0x4;
	s19 =	simm.s32 $0x8;
	s14 =	sor.u32 $0x8000, s14;
	[tilespmem:s17+$0x1830 ss:$0x81] =	vst.msk $0xffff, v5;
	v4 =	vld [tilespmem:s16+$0x30]  }
.LBB1_3:
0x3e: {  	p1 =	sne.s32 s19, $0x1FC;
	v5 =	vld [tilespmem:s16+$0xFFFFFFD0];
	[tilespmem:s17+$0x2040 ss:$0x81] =	vst.msk $0xffff, v1  }
0x3f: {  	v6 =	vld [tilespmem:s16+$0xFFFFFFE0];
	[tilespmem:s17+$0x2850 ss:$0x81] =	vst.msk $0xffff, v2  }
0x40: {  	s20 =	sshra.s32 s18, $0x2;
	s18 =	smov.u32 s19;
	v7 =	vld [tilespmem:s16+$0xFFFFFFF0];
	[tilespmem:s17+$0x3060 ss:$0x81] =	vst.msk $0xffff, v3  }
.Ltmp3:
0x41: {  	v1 =	vld [tilespmem:s16+$0x0];
	[tilespmem:s17+$0x0 ss:$0x81] =	vst.msk $0xffff, v0;
	s17 =	sadd.s32 s20, s15;
	(pc) =	sbr.rel @p1 .LBB1_3-.Ltmp3, $4  }
0x42: {  	v2 =	vld [tilespmem:s16+$0x10];
	[tilespmem:s17+$0x3870 ss:$0x81] =	vst.msk $0xffff, v4  }
0x43: {  	[tilespmem:s17+$0x810 ss:$0x81] =	vst.msk $0xffff, v5;
	v3 =	vld [tilespmem:s16+$0x20]  }
0x44: {  	v0 =	vld [tilespmem:s16+$0xFFFFFFC0];
	[tilespmem:s17+$0x1020 ss:$0x81] =	vst.msk $0xffff, v6;
	s16 =	sadd.s32 $0x80, s16  }
0x45: {  	s19 =	sadd.s32 $0x4, s19;
	v4 =	vld [tilespmem:s16+$0x30];
	[tilespmem:s17+$0x1830 ss:$0x81] =	vst.msk $0xffff, v7  }
.Ltmp4:
0x46: {  	_ = 	snop;
	(pc) =	sbr.rel .LBB1_4-.Ltmp4, $1  }
0x47: {  	_ =	sdelay $0x3  }
.LBB1_6:
0x48: {  	_ =	sfence.sel $0x180000  }
0x49: {  	s2 =	simm.s32 $0x1;
	[bflag:$0x0] =	sbarrier.arrive $0xFFFF  }
0x4a: {  	s31 =	simm.s32 $0x2;
	[sflag:s2] =	ssyncpa.u1 $0x1  }
0x4b: {  	[sflag:s31] =	ssyncpa.u1 $0x1  }
0x4c: {  	p0 =	sne.s32 s0, $0x0;
	_ =	strace $0x90000056  }
0x4d: {  	s0 =	sadd.s32 @!p0 $0x100000, s1;
	[bflag:$0x2] =	sbarrier.arrive $0xFFFF  }
0x4e: {  	[sflag:s0] =	ssyncadd.tile.s32 @!p0 $0x1;
	_ =	shalt  }
.Lfunc_end1:
_tile_overlayer_lowered:
.L_overlay_start_2:
0x4f: {  	(tag) =	ssettag $0x2  }
0x50: {  	s0 =	rddreg [dreg:$0x0];
	s2 =	stileid.u32  }
0x51: {  	s1 =	rddreg [dreg:$0x1];
	p0 =	sne.s32 s2, $0x0  }
0x52: {  	s3 =	rddreg [dreg:$0x2];
	[bflag:$0x3] =	sbarrier.arrive $0xFFFF;
	s2 =	simm.s32 @!p0 $0x1C01  }
0x53: {  	[timem:s3], [sflag:s2] =	dma.local @!p0 [hbm:s0], s1  }
0x54: {  	s0 =	simm.s32 @!p0 $0x1  }
0x55: {  	_ =	swait.ge @!p0 [sflag:s0], s1  }
0x56: {  	s1 =	ssub.s32 @!p0 $0x0, s1;
	[sflag:s0] =	ssyncset.done @!p0 $0x0  }
0x57: {  	[sflag:s0] =	ssyncadd.s32 @!p0 s1  }
0x58: {  	[bflag:$0x3] =	sbarrier.arrive $0xFFFF  }
0x59: {  	_ =	shalt  }

// kernel: sparse-core-data-format-call.4.cloned.1.call-start
scs
called_computation.4_lowered:
.L_overlay_start_0:
0x0: {  	s2 =	sld [smem:$0x3FD9]  }
0x1: {  	s3 =	sld [smem:$0x3FFE];
	_ =	sdelay $0x1  }
0x2: {  	s1 =	srdreg.scid  }
0x3: {  	s0 =	sand.u32 $0x1, s1  }
0x4: {  	s18 =	sshll.u32 s0, $0xA;
	s2 =	sadd.s32 s3, s2  }
0x5: {  	s2 =	sadd.s32 s2, s18  }
0x6: {  	[smem:$0x3F88] =	sst s2  }
0x7: {  	_ = 	snop  }
0x8: {  	(tm) =	ssettm $0x1  }
0x9: {  	s19 =	sld [smem:$0x3FFB];
	_ =	sdelay $0x3  }
0xa: {  	_ =	strace s19  }
0xb: {  	s2 =	sld [smem:$0x3FFC];
	_ =	sdelay $0x3  }
0xc: {  	_ =	strace s2  }
0xd: {  	s2 =	sld [smem:$0x3FFD];
	_ =	sdelay $0x3  }
0xe: {  	_ =	strace s2  }
0xf: {  	_ =	strace $0x8FFFFFFF  }
0x10: {  	s20 =	sld [smem:$0x3FDB];
	_ =	sdelay $0x1  }
0x11: {  	s21 =	simm.s32 $_scs_section_size  }
0x12: {  	s4 =	simm.s32 $_size__tile_overlayer_lowered;
	s5 =	simm.s32 $_tile_overlayer_lowered  }
0x13: {  	s6 =	simm.s32 $0x1BFF;
	s22 =	sshll.u32 s5, $0x1;
	s3 =	sadd.s32 s21, s20  }
0x14: {  	s23 =	simm.s32 $0x0;
	s4 =	sshll.u32 s4, $0x1;
	s5 =	sadd.s32 s22, s3  }
0x15: {  	[timem:s23], [sflag:s6] =	dma.local [hbm:s5], s4  }
0x16: {  	_ =	swait.ge [sflag:s6], s4  }
0x17: {  	s4 =	ssub.s32 $0x0, s4;
	[sflag:s6] =	ssyncset.done $0x0  }
0x18: {  	[sflag:s6] =	ssyncadd.s32 s4;
	_ =	sdelay $0x1  }
0x19: {  	s24 =	simm.s32 $0x1B8B  }
0x1a: {  	_ =	swait.ge [sflag:s24], $0x1  }
0x1b: {  	[sflag:s24] =	ssyncset.done $0x0  }
0x1c: {  	[sflag:s24] =	ssyncadd.s32 $0xFFFFFFFF  }
0x1d: {  	s4 =	sld [smem:$0x0]  }
0x1e: {  	s5 =	sand.u32 $0xFFFFFFFE, s1  }
0x1f: {  	p0 =	sne.s32 s1, s5  }
0x20: {  	s5 =	sshll.u32 @p0 s5, $0xE  }
0x21: {  	s5 =	sadd.s32 @p0 $0x11B8D, s5;
	s6 =	sshll.u32 @p0 s4, $0x11  }
0x22: {  	s5 =	sor.u32 @p0 s6, s5  }
0x23: {  	[sflag:s5] =	ssyncadd.remote.s32 @p0 $0x1;
	_ =	sdelay $0x1  }
0x24: {  	s5 =	simm.s32 @p0 $0x1B8D  }
0x25: {  	_ =	swait.eq @p0 [sflag:s5], $0x1  }
0x26: {  	[sflag:s5] =	ssyncadd.s32 @p0 $0xFFFFFFFF  }
0x27: {  	s6 =	sshll.u32 @!p0 s1, $0xE  }
0x28: {  	s6 =	sor.u32 @!p0 $0x4000, s6;
	s5 =	simm.s32 @!p0 $0x1B8D  }
0x29: {  	s4 =	sshll.u32 @!p0 s4, $0x11;
	s6 =	sadd.s32 @!p0 $0x11B8D, s6;
	_ =	swait.eq @!p0 [sflag:s5], $0x1  }
0x2a: {  	s4 =	sor.u32 @!p0 s4, s6;
	[sflag:s5] =	ssyncadd.s32 @!p0 $0xFFFFFFFF  }
0x2b: {  	s26 =	simm.s32 $0x1B8E;
	s25 =	sld [smem:$0x3FFE];
	[sflag:s4] =	ssyncadd.remote.s32 @!p0 $0x1  }
0x2c: {  	s27 =	simm.s32 $execute0_lowered;
	[smem:$0x3FD2] =	sst s26  }
0x2d: {  	s5 =	sshll.u32 s27, $0x1;
	_ =	strace $0x8000005B;
	[dreg:$0x1] =	wrdreg $0xFFFFFFFF  }
0x2e: {  	s28 =	simm.s32 $_size_execute0_lowered;
	s3 =	sadd.s32 s3, s5;
	[dreg:$0x0] =	wrdreg $0x0  }
0x2f: {  	s5 =	sshll.u32 s28, $0x1;
	[dreg:$0x2] =	wrdreg s3  }
0x30: {  	[dreg:$0x3] =	wrdreg s5  }
0x31: {  	[dreg:$0x4] =	wrdreg $0xC0  }
0x32: {  	_ =	task [dreg:s23], $0x5FFFF  }
0x33: {  	[dreg:$0x1] =	wrdreg $0xFFFFFFFF  }
0x34: {  	[dreg:$0x0] =	wrdreg $0x60  }
0x35: {  	[dreg:$0x2] =	wrdreg s25  }
0x36: {  	[dreg:$0x3] =	wrdreg $0xD  }
0x37: {  	_ =	task.clear_ibuf [dreg:s23], $0x4FFFF;
	_ =	strace $0x9000005B  }
0x38: {  	s29 =	simm.s32 $0xD;
	_ =	strace $0x8000005D  }
0x39: {  	_ =	swait.ge [sflag:s29], $0x1  }
0x3a: {  	[sflag:s29] =	ssyncadd.s32 $0xFFFFFFFF  }
0x3b: {  	_ =	strace $0x9000005D  }
0x3c: {  	_ =	sfence  }
0x3d: {  	s30 =	sld [smem:$0x0];
	_ =	sdelay $0x2  }
0x3e: {  	s31 =	sshll.u32 s1, $0xD;
	s1 =	sshrl.u32 s1, $0x2  }
0x3f: {  	s4 =	sand.u32 $0x4000, s31;
	s1 =	sadd.s32 s1, s30  }
0x40: {  	s0 =	sor.u32 s4, s0;
	s1 =	sshll.u32 s1, $0x11  }
0x41: {  	s0 =	sor.u32 s1, s0  }
0x42: {  	s0 =	sadd.s32 $0x8F2B, s0  }
0x43: {  	[sflag:s0] =	ssyncadd.remote.s32 $0x1  }
0x44: {  	_ =	sfence.sel $0xFFFF  }
0x45: {  	[dreg:$0x0] =	wrdreg $0xFFFFFFFF;
	(pc) =	sbr.abs _section_cstart, $3  }
0x46: {  	[dreg:$0x1] =	wrdreg $0xFFFFFFFF  }
0x47: {  	_ =	task.clear_ibuf [dreg:s23], $0x2FFFF;
	_ =	strace $0x9FFFFFFF  }
0x48: {  	(tm) =	ssettm $0x7FFFFFFF  }
0x49: {  	_ =	shalt  }
tec
execute0_lowered:
.L_overlay_start_1:
0x0: {  	(tag) =	ssettag $0x1  }
0x1: {  	s0 =	srdreg.scid  }
0x2: {  	s1 =	sshll.u32 s0, $0x4  }
0x3: {  	s6 =	rddreg [dreg:$0x0];
	s0 =	stileid.u32;
	s1 =	sand.u32 $0x10, s1  }
0x4: {  	s5 =	simm.s32 $0x1;
	s31 =	simm.s32 $0x2;
	s1 =	sor.u32 s0, s1  }
0x5: {  	s13 =	simm.s32 $0x0;
	s8 =	simm.s32 $0x10000;
	s2 =	sshll.u32 s1, $0x7  }
0x6: {  	s12 =	simm.s32 $0x0;
	s9 =	simm.s32 $0x0;
	s3 =	ssub.s32 $0x2000, s2  }
0x7: {  	s11 =	simm.s32 $0x0;
	s1 =	rddreg [dreg:$0x1];
	s4 =	sand.u32 $0xF80, s3  }
.Ltmp0:
0x8: {  	_ =	strace $0x8000005C;
	p0 =	sne.s32 s4, $0x0;
	(pc) =	sbr.rel .LBB1_1-.Ltmp0, $4  }
0x9: {  	s10 =	smov.u32 s2;
	s7 =	sshrl.u32 s3, $0xC;
	s5 =	simm.s32 @!p0 $0x0  }
0xa: {  	s3 =	sadd.s32 $0xAF0C00, s6;
	s4 =	simm.s32 $0x1;
	s5 =	sadd.s32 s5, s7  }
0xb: {  	s6 =	sadd.s32 $0x2CF0C00, s6;
	[sflag:s4] =	ssyncpa.u1 $0x0;
	s5 =	sshll.u32 s5, $0x6  }
0xc: {  	p0 =	por $0x0, $0x0;
	[sflag:s31] =	ssyncpa.u1 $0x0;
	s7 =	sor.u32 $0x1, s5  }
.LBB1_4:
0xd: {  	v5 =	vld [tilespmem:s16+$0xFFFFFFD0]  }
0xe: {  	[tilespmem:s17+$0x2040 ss:$0x81] =	vst.msk $0xffff, v1;
	v58 =	vld [tilespmem:s16+$0xFFFFFFE0]  }
0xf: {  	[tilespmem:s17+$0x2850 ss:$0x81] =	vst.msk $0xffff, v2;
	v59 =	vld [tilespmem:s16+$0xFFFFFFF0]  }
0x10: {  	s18 =	sshra.s32 s18, $0x2;
	[tilespmem:s17+$0x3060 ss:$0x81] =	vst.msk $0xffff, v3;
	v60 =	vld [tilespmem:s16+$0x0]  }
0x11: {  	[tilespmem:s17+$0x0 ss:$0x81] =	vst.msk $0xffff, v0;
	v61 =	vld [tilespmem:s16+$0x10];
	s15 =	sadd.s32 s18, s15  }
0x12: {  	s26 =	sshll.u32 s13, $0xD;
	v62 =	vld [tilespmem:s16+$0x20];
	[tilespmem:s15+$0x3870 ss:$0x81] =	vst.msk $0xffff, v4  }
0x13: {  	s27 =	sand.u32 $0x78, s12;
	s19 =	sshll.u32 s12, $0x3;
	v63 =	vld [tilespmem:s16+$0xFFFFFFC0];
	s29 =	sshll.u32 s13, $0x7;
	[tilespmem:s15+$0x810 ss:$0x81] =	vst.msk $0xffff, v5  }
0x14: {  	s17 =	sand.u32 $0x3FF0000, s26;
	s28 =	sand.u32 $0x3FFFC00, s19;
	s19 =	sand.u32 $0x1C00, s19;
	[tilespmem:s15+$0x1020 ss:$0x81] =	vst.msk $0xffff, v58  }
0x15: {  	s13 =	sand.u32 $0x380, s29;
	s16 =	sadd.s32 s28, s17;
	s30 =	sor.u32 s27, s19;
	[tilespmem:s15+$0x1830 ss:$0x81] =	vst.msk $0xffff, v59  }
0x16: {  	s16 =	sand.u32 $0x3FFE000, s16;
	s13 =	sor.u32 s13, s30;
	[tilespmem:s15+$0x2040 ss:$0x81] =	vst.msk $0xffff, v60  }
0x17: {  	s31 =	sand.u32 $0x7, s12;
	s13 =	sor.u32 s16, s13;
	[tilespmem:s15+$0x2850 ss:$0x81] =	vst.msk $0xffff, v61  }
0x18: {  	s12 =	sshll.u32 s31, $0x12;
	[tilespmem:s15+$0x3060 ss:$0x81] =	vst.msk $0xffff, v62;
	s13 =	sshrl.u32 s13, $0x3  }
0x19: {  	s12 =	sor.u32 $0x400, s12;
	[tilespmem:s15+$0x0 ss:$0x81] =	vst.msk $0xffff, v63;
	s13 =	sadd.s32 s6, s13  }
0x1a: {  	[hbm4b:s13+s12] =	stream.strided.scatter [tilespmem:s14], [sflag:$0x2], $0x4000, s8, s12, $0x20;
	[tilespmem:$0x10100] =	vst v63  }
.LBB1_5:
0x1b: {  	s14 =	sadd.s32 $0x80, s9  }
0x1c: {  	s12 =	sadd.s32 $0x1000, s10;
	s16 =	smov.u32 s10;
	p2 =	sgt.s32 s14, $0x1FFF  }
0x1d: {  	s16 =	smov.u32 @p2 s12  }
0x1e: {  	s14 =	simm.s32 @p2 $0x0;
	p2 =	sgt.s32 s16, $0x1FFF  }
0x1f: {  	s16 =	smov.u32 @p2 s2;
	p2 =	sne.s32 s11, s7  }
.Ltmp1:
0x20: {  	p1 =	slt.u32 s11, $0x2;
	(pc) =	sbr.rel @!p2 .LBB1_6-.Ltmp1, $4  }
0x21: {  	s15 =	simm.s32 @!p1 $0x2  }
0x22: {  	s13 =	smov.u32 s9;
	p0 =	por !p0, !p0;
	_ =	swait.ge @!p1 [sflag:s15], $0x4000  }
0x23: {  	s12 =	smov.u32 s10;
	[sflag:s15] =	ssyncset.done @!p1 $0x0;
	s9 =	smov.u32 s14  }
0x24: {  	s11 =	sadd.s32 $0x1, s11;
	[sflag:s15] =	ssyncadd.s32 @!p1 $0xFFFFC000;
	s10 =	smov.u32 s16  }
.LBB1_1:
0x25: {  	p1 =	sge.u32 s11, s5;
	s31 =	sadd.s32 $0xFFFFFFFF, s11  }
0x26: {  	s14 =	sand.u32 @!p1 $0x78, s9;
	s15 =	sshll.u32 @!p1 s10, $0xD;
	s16 =	sshll.u32 @!p1 s10, $0x7  }
0x27: {  	s17 =	sshll.u32 @!p1 s9, $0x3;
	s15 =	sand.u32 @!p1 $0x3FF0000, s15;
	s16 =	sand.u32 @!p1 $0x380, s16  }
0x28: {  	s15 =	sadd.s32 @!p1 s15, s17;
	s17 =	sand.u32 @!p1 $0x1C00, s17;
	s14 =	sor.u32 @!p1 s16, s14  }
0x29: {  	s16 =	sxor.u32 @!p1 $0xFFFFFFFF, s11;
	s15 =	sand.u32 @!p1 $0x3FFE000, s15;
	s14 =	sor.u32 @!p1 s17, s14  }
0x2a: {  	s16 =	sshll.u32 @!p1 s16, $0xE;
	s14 =	sor.u32 @!p1 s15, s14;
	s15 =	sand.u32 @!p1 $0x7, s9  }
0x2b: {  	s17 =	simm.s32 @!p1 $0x10000;
	s14 =	sshrl.u32 @!p1 s14, $0x3;
	s15 =	sshll.u32 @!p1 s15, $0x12  }
0x2c: {  	s16 =	sand.u32 @!p1 $0x4000, s16;
	s14 =	sadd.s32 @!p1 s3, s14;
	s15 =	sor.u32 @!p1 $0x400, s15  }
0x2d: {  	[tilespmem:s16], [sflag:$0x1] =	stream.strided.gather @!p1 [hbm4b:s14+s15], $0x4000, s17, s15, $0x38;
	[tilespmem:$0x10100] =	vst v63  }
0x2e: {  	p1 =	sge.u32 s31, s5  }
.Ltmp2:
0x2f: {  	_ = 	snop;
	(pc) =	sbr.rel @p1 .LBB1_5-.Ltmp2, $1  }
0x30: {  	_ =	sdelay $0x3  }
0x31: {  	s14 =	simm.s32 $0x1  }
0x32: {  	_ =	swait.ge [sflag:s4], $0x4000;
	s14 =	simm.s32 @!p0 $0x0  }
0x33: {  	[sflag:s4] =	ssyncset.done $0x0;
	s15 =	sshll.u32 s14, $0xE  }
0x34: {  	[sflag:s4] =	ssyncadd.s32 $0xFFFFC000;
	s16 =	sor.u32 $0x40, s15  }
0x35: {  	s14 =	smul.u32 $0x10200, s14;
	v0 =	vld [tilespmem:s16+$0x30]  }
0x36: {  	v3 =	vld [tilespmem:s16+$0xFFFFFFD0]  }
0x37: {  	s14 =	sshrl.u32 s14, $0x2;
	v4 =	vld [tilespmem:s16+$0xFFFFFFE0]  }
0x38: {  	v5 =	vld [tilespmem:s16+$0xFFFFFFF0];
	s15 =	sor.u32 $0x8000, s14  }
0x39: {  	s31 =	sand.u32 $0x1, s11;
	v1 =	vld [tilespmem:s16+$0x0];
	s17 =	sadd.s32 $0x0, s15  }
0x3a: {  	v2 =	vld [tilespmem:s16+$0x10];
	s14 =	smul.u32 $0x10200, s31;
	[tilespmem:s17+$0x3870 ss:$0x81] =	vst.msk $0xffff, v0  }
0x3b: {  	[tilespmem:s17+$0x810 ss:$0x81] =	vst.msk $0xffff, v3;
	v3 =	vld [tilespmem:s16+$0x20]  }
0x3c: {  	s14 =	sshrl.u32 s14, $0x2;
	v0 =	vld [tilespmem:s16+$0xFFFFFFC0];
	[tilespmem:s17+$0x1020 ss:$0x81] =	vst.msk $0xffff, v4;
	s16 =	sadd.s32 $0x80, s16  }
0x3d: {  	s18 =	simm.s32 $0x4;
	s19 =	simm.s32 $0x8;
	s14 =	sor.u32 $0x8000, s14;
	[tilespmem:s17+$0x1830 ss:$0x81] =	vst.msk $0xffff, v5;
	v4 =	vld [tilespmem:s16+$0x30]  }
.LBB1_3:
0x3e: {  	p1 =	sne.s32 s19, $0x1FC;
	v5 =	vld [tilespmem:s16+$0xFFFFFFD0];
	[tilespmem:s17+$0x2040 ss:$0x81] =	vst.msk $0xffff, v1  }
0x3f: {  	v6 =	vld [tilespmem:s16+$0xFFFFFFE0];
	[tilespmem:s17+$0x2850 ss:$0x81] =	vst.msk $0xffff, v2  }
0x40: {  	s20 =	sshra.s32 s18, $0x2;
	s18 =	smov.u32 s19;
	v7 =	vld [tilespmem:s16+$0xFFFFFFF0];
	[tilespmem:s17+$0x3060 ss:$0x81] =	vst.msk $0xffff, v3  }
.Ltmp3:
0x41: {  	v1 =	vld [tilespmem:s16+$0x0];
	[tilespmem:s17+$0x0 ss:$0x81] =	vst.msk $0xffff, v0;
	s17 =	sadd.s32 s20, s15;
	(pc) =	sbr.rel @p1 .LBB1_3-.Ltmp3, $4  }
0x42: {  	v2 =	vld [tilespmem:s16+$0x10];
	[tilespmem:s17+$0x3870 ss:$0x81] =	vst.msk $0xffff, v4  }
0x43: {  	[tilespmem:s17+$0x810 ss:$0x81] =	vst.msk $0xffff, v5;
	v3 =	vld [tilespmem:s16+$0x20]  }
0x44: {  	v0 =	vld [tilespmem:s16+$0xFFFFFFC0];
	[tilespmem:s17+$0x1020 ss:$0x81] =	vst.msk $0xffff, v6;
	s16 =	sadd.s32 $0x80, s16  }
0x45: {  	s19 =	sadd.s32 $0x4, s19;
	v4 =	vld [tilespmem:s16+$0x30];
	[tilespmem:s17+$0x1830 ss:$0x81] =	vst.msk $0xffff, v7  }
.Ltmp4:
0x46: {  	_ = 	snop;
	(pc) =	sbr.rel .LBB1_4-.Ltmp4, $1  }
0x47: {  	_ =	sdelay $0x3  }
.LBB1_6:
0x48: {  	_ =	sfence.sel $0x180000  }
0x49: {  	s2 =	simm.s32 $0x1;
	[bflag:$0x0] =	sbarrier.arrive $0xFFFF  }
0x4a: {  	s31 =	simm.s32 $0x2;
	[sflag:s2] =	ssyncpa.u1 $0x1  }
0x4b: {  	[sflag:s31] =	ssyncpa.u1 $0x1  }
0x4c: {  	p0 =	sne.s32 s0, $0x0;
	_ =	strace $0x9000005C  }
0x4d: {  	s0 =	sadd.s32 @!p0 $0x100000, s1;
	[bflag:$0x2] =	sbarrier.arrive $0xFFFF  }
0x4e: {  	[sflag:s0] =	ssyncadd.tile.s32 @!p0 $0x1;
	_ =	shalt  }
.Lfunc_end1:
_tile_overlayer_lowered:
.L_overlay_start_2:
0x4f: {  	(tag) =	ssettag $0x2  }
0x50: {  	s0 =	rddreg [dreg:$0x0];
	s2 =	stileid.u32  }
0x51: {  	s1 =	rddreg [dreg:$0x1];
	p0 =	sne.s32 s2, $0x0  }
0x52: {  	s3 =	rddreg [dreg:$0x2];
	[bflag:$0x3] =	sbarrier.arrive $0xFFFF;
	s2 =	simm.s32 @!p0 $0x1C01  }
0x53: {  	[timem:s3], [sflag:s2] =	dma.local @!p0 [hbm:s0], s1  }
0x54: {  	s0 =	simm.s32 @!p0 $0x1  }
0x55: {  	_ =	swait.ge @!p0 [sflag:s0], s1  }
0x56: {  	s1 =	ssub.s32 @!p0 $0x0, s1;
	[sflag:s0] =	ssyncset.done @!p0 $0x0  }
0x57: {  	[sflag:s0] =	ssyncadd.s32 @!p0 s1  }
0x58: {  	[bflag:$0x3] =	sbarrier.arrive $0xFFFF  }
0x59: {  	_ =	shalt  }

// kernel: sparse-core-data-format-call.cloned.1.call-start
scs
called_computation_lowered:
.L_overlay_start_0:
0x0: {  	s2 =	sld [smem:$0x3FD9]  }
0x1: {  	s3 =	sld [smem:$0x3FFE];
	_ =	sdelay $0x1  }
0x2: {  	s1 =	srdreg.scid  }
0x3: {  	s0 =	sand.u32 $0x1, s1  }
0x4: {  	s18 =	sshll.u32 s0, $0xA;
	s2 =	sadd.s32 s3, s2  }
0x5: {  	s2 =	sadd.s32 s2, s18  }
0x6: {  	[smem:$0x3F88] =	sst s2  }
0x7: {  	_ = 	snop  }
0x8: {  	(tm) =	ssettm $0x1  }
0x9: {  	s19 =	sld [smem:$0x3FFB];
	_ =	sdelay $0x3  }
0xa: {  	_ =	strace s19  }
0xb: {  	s2 =	sld [smem:$0x3FFC];
	_ =	sdelay $0x3  }
0xc: {  	_ =	strace s2  }
0xd: {  	s2 =	sld [smem:$0x3FFD];
	_ =	sdelay $0x3  }
0xe: {  	_ =	strace s2  }
0xf: {  	_ =	strace $0x8FFFFFFF  }
0x10: {  	s20 =	sld [smem:$0x3FDB];
	_ =	sdelay $0x1  }
0x11: {  	s21 =	simm.s32 $_scs_section_size  }
0x12: {  	s4 =	simm.s32 $_size__tile_overlayer_lowered;
	s5 =	simm.s32 $_tile_overlayer_lowered  }
0x13: {  	s6 =	simm.s32 $0x1BFF;
	s22 =	sshll.u32 s5, $0x1;
	s3 =	sadd.s32 s21, s20  }
0x14: {  	s23 =	simm.s32 $0x0;
	s4 =	sshll.u32 s4, $0x1;
	s5 =	sadd.s32 s22, s3  }
0x15: {  	[timem:s23], [sflag:s6] =	dma.local [hbm:s5], s4  }
0x16: {  	_ =	swait.ge [sflag:s6], s4  }
0x17: {  	s4 =	ssub.s32 $0x0, s4;
	[sflag:s6] =	ssyncset.done $0x0  }
0x18: {  	[sflag:s6] =	ssyncadd.s32 s4;
	_ =	sdelay $0x1  }
0x19: {  	s24 =	simm.s32 $0x1B8B  }
0x1a: {  	_ =	swait.ge [sflag:s24], $0x1  }
0x1b: {  	[sflag:s24] =	ssyncset.done $0x0  }
0x1c: {  	[sflag:s24] =	ssyncadd.s32 $0xFFFFFFFF  }
0x1d: {  	s4 =	sld [smem:$0x0]  }
0x1e: {  	s5 =	sand.u32 $0xFFFFFFFE, s1  }
0x1f: {  	p0 =	sne.s32 s1, s5  }
0x20: {  	s5 =	sshll.u32 @p0 s5, $0xE  }
0x21: {  	s5 =	sadd.s32 @p0 $0x11B8D, s5;
	s6 =	sshll.u32 @p0 s4, $0x11  }
0x22: {  	s5 =	sor.u32 @p0 s6, s5  }
0x23: {  	[sflag:s5] =	ssyncadd.remote.s32 @p0 $0x1;
	_ =	sdelay $0x1  }
0x24: {  	s5 =	simm.s32 @p0 $0x1B8D  }
0x25: {  	_ =	swait.eq @p0 [sflag:s5], $0x1  }
0x26: {  	[sflag:s5] =	ssyncadd.s32 @p0 $0xFFFFFFFF  }
0x27: {  	s6 =	sshll.u32 @!p0 s1, $0xE  }
0x28: {  	s6 =	sor.u32 @!p0 $0x4000, s6;
	s5 =	simm.s32 @!p0 $0x1B8D  }
0x29: {  	s4 =	sshll.u32 @!p0 s4, $0x11;
	s6 =	sadd.s32 @!p0 $0x11B8D, s6;
	_ =	swait.eq @!p0 [sflag:s5], $0x1  }
0x2a: {  	s4 =	sor.u32 @!p0 s4, s6;
	[sflag:s5] =	ssyncadd.s32 @!p0 $0xFFFFFFFF  }
0x2b: {  	s26 =	simm.s32 $0x1B8E;
	s25 =	sld [smem:$0x3FFE];
	[sflag:s4] =	ssyncadd.remote.s32 @!p0 $0x1  }
0x2c: {  	s27 =	simm.s32 $execute0_lowered;
	[smem:$0x3FD2] =	sst s26  }
0x2d: {  	s5 =	sshll.u32 s27, $0x1;
	_ =	strace $0x80000058;
	[dreg:$0x1] =	wrdreg $0xFFFFFFFF  }
0x2e: {  	s28 =	simm.s32 $_size_execute0_lowered;
	s3 =	sadd.s32 s3, s5;
	[dreg:$0x0] =	wrdreg $0x0  }
0x2f: {  	s5 =	sshll.u32 s28, $0x1;
	[dreg:$0x2] =	wrdreg s3  }
0x30: {  	[dreg:$0x3] =	wrdreg s5  }
0x31: {  	[dreg:$0x4] =	wrdreg $0xC0  }
0x32: {  	_ =	task [dreg:s23], $0x5FFFF  }
0x33: {  	[dreg:$0x1] =	wrdreg $0xFFFFFFFF  }
0x34: {  	[dreg:$0x0] =	wrdreg $0x60  }
0x35: {  	[dreg:$0x2] =	wrdreg s25  }
0x36: {  	[dreg:$0x3] =	wrdreg $0x9  }
0x37: {  	_ =	task.clear_ibuf [dreg:s23], $0x4FFFF;
	_ =	strace $0x90000058  }
0x38: {  	s29 =	simm.s32 $0x9;
	_ =	strace $0x8000005A  }
0x39: {  	_ =	swait.ge [sflag:s29], $0x1  }
0x3a: {  	[sflag:s29] =	ssyncadd.s32 $0xFFFFFFFF  }
0x3b: {  	_ =	strace $0x9000005A  }
0x3c: {  	_ =	sfence  }
0x3d: {  	s30 =	sld [smem:$0x0];
	_ =	sdelay $0x2  }
0x3e: {  	s31 =	sshll.u32 s1, $0xD;
	s1 =	sshrl.u32 s1, $0x2  }
0x3f: {  	s4 =	sand.u32 $0x4000, s31;
	s1 =	sadd.s32 s1, s30  }
0x40: {  	s0 =	sor.u32 s4, s0;
	s1 =	sshll.u32 s1, $0x11  }
0x41: {  	s0 =	sor.u32 s1, s0  }
0x42: {  	s0 =	sadd.s32 $0x8F2B, s0  }
0x43: {  	[sflag:s0] =	ssyncadd.remote.s32 $0x1  }
0x44: {  	_ =	sfence.sel $0xFFFF  }
0x45: {  	[dreg:$0x0] =	wrdreg $0xFFFFFFFF;
	(pc) =	sbr.abs _section_cstart, $3  }
0x46: {  	[dreg:$0x1] =	wrdreg $0xFFFFFFFF  }
0x47: {  	_ =	task.clear_ibuf [dreg:s23], $0x2FFFF;
	_ =	strace $0x9FFFFFFF  }
0x48: {  	(tm) =	ssettm $0x7FFFFFFF  }
0x49: {  	_ =	shalt  }
tec
execute0_lowered:
.L_overlay_start_1:
0x0: {  	(tag) =	ssettag $0x1  }
0x1: {  	s0 =	srdreg.scid  }
0x2: {  	s1 =	sshll.u32 s0, $0x4  }
0x3: {  	s6 =	rddreg [dreg:$0x0];
	s0 =	stileid.u32;
	s1 =	sand.u32 $0x10, s1  }
0x4: {  	s5 =	simm.s32 $0x1;
	s31 =	simm.s32 $0x2;
	s1 =	sor.u32 s0, s1  }
0x5: {  	s13 =	simm.s32 $0x0;
	s8 =	simm.s32 $0x10000;
	s2 =	sshll.u32 s1, $0x7  }
0x6: {  	s12 =	simm.s32 $0x0;
	s9 =	simm.s32 $0x0;
	s3 =	ssub.s32 $0x2000, s2  }
0x7: {  	s11 =	simm.s32 $0x0;
	s1 =	rddreg [dreg:$0x1];
	s4 =	sand.u32 $0xF80, s3  }
.Ltmp0:
0x8: {  	_ =	strace $0x80000059;
	p0 =	sne.s32 s4, $0x0;
	(pc) =	sbr.rel .LBB1_1-.Ltmp0, $4  }
0x9: {  	s10 =	smov.u32 s2;
	s7 =	sshrl.u32 s3, $0xC;
	s5 =	simm.s32 @!p0 $0x0  }
0xa: {  	s3 =	sadd.s32 $0x24F0C00, s6;
	s4 =	simm.s32 $0x1;
	s5 =	sadd.s32 s5, s7  }
0xb: {  	s6 =	sadd.s32 $0x28F0C00, s6;
	[sflag:s4] =	ssyncpa.u1 $0x0;
	s5 =	sshll.u32 s5, $0x5  }
0xc: {  	p0 =	por $0x0, $0x0;
	[sflag:s31] =	ssyncpa.u1 $0x0;
	s7 =	sor.u32 $0x1, s5  }
.LBB1_4:
0xd: {  	v5 =	vld [tilespmem:s16+$0xFFFFFFD0]  }
0xe: {  	[tilespmem:s17+$0x2040 ss:$0x81] =	vst.msk $0xffff, v1;
	v58 =	vld [tilespmem:s16+$0xFFFFFFE0]  }
0xf: {  	[tilespmem:s17+$0x2850 ss:$0x81] =	vst.msk $0xffff, v2;
	v59 =	vld [tilespmem:s16+$0xFFFFFFF0]  }
0x10: {  	s18 =	sshra.s32 s18, $0x2;
	[tilespmem:s17+$0x3060 ss:$0x81] =	vst.msk $0xffff, v3;
	v60 =	vld [tilespmem:s16+$0x0]  }
0x11: {  	[tilespmem:s17+$0x0 ss:$0x81] =	vst.msk $0xffff, v0;
	v61 =	vld [tilespmem:s16+$0x10];
	s15 =	sadd.s32 s18, s15  }
0x12: {  	s26 =	sshll.u32 s13, $0xD;
	v62 =	vld [tilespmem:s16+$0x20];
	[tilespmem:s15+$0x3870 ss:$0x81] =	vst.msk $0xffff, v4  }
0x13: {  	s27 =	sand.u32 $0x78, s12;
	s19 =	sshll.u32 s12, $0x3;
	v63 =	vld [tilespmem:s16+$0xFFFFFFC0];
	s29 =	sshll.u32 s13, $0x7;
	[tilespmem:s15+$0x810 ss:$0x81] =	vst.msk $0xffff, v5  }
0x14: {  	s17 =	sand.u32 $0x1FF0000, s26;
	s28 =	sand.u32 $0x1FFFC00, s19;
	s19 =	sand.u32 $0x1C00, s19;
	[tilespmem:s15+$0x1020 ss:$0x81] =	vst.msk $0xffff, v58  }
0x15: {  	s13 =	sand.u32 $0x380, s29;
	s16 =	sadd.s32 s28, s17;
	s30 =	sor.u32 s27, s19;
	[tilespmem:s15+$0x1830 ss:$0x81] =	vst.msk $0xffff, v59  }
0x16: {  	s16 =	sand.u32 $0x1FFE000, s16;
	s13 =	sor.u32 s13, s30;
	[tilespmem:s15+$0x2040 ss:$0x81] =	vst.msk $0xffff, v60  }
0x17: {  	s31 =	sand.u32 $0x7, s12;
	s13 =	sor.u32 s16, s13;
	[tilespmem:s15+$0x2850 ss:$0x81] =	vst.msk $0xffff, v61  }
0x18: {  	s12 =	sshll.u32 s31, $0x12;
	[tilespmem:s15+$0x3060 ss:$0x81] =	vst.msk $0xffff, v62;
	s13 =	sshrl.u32 s13, $0x3  }
0x19: {  	s12 =	sor.u32 $0x400, s12;
	[tilespmem:s15+$0x0 ss:$0x81] =	vst.msk $0xffff, v63;
	s13 =	sadd.s32 s6, s13  }
0x1a: {  	[hbm4b:s13+s12] =	stream.strided.scatter [tilespmem:s14], [sflag:$0x2], $0x4000, s8, s12, $0x20;
	[tilespmem:$0x10100] =	vst v63  }
.LBB1_5:
0x1b: {  	s14 =	sadd.s32 $0x80, s9  }
0x1c: {  	s12 =	sadd.s32 $0x1000, s10;
	s16 =	smov.u32 s10;
	p2 =	sgt.s32 s14, $0xFFF  }
0x1d: {  	s16 =	smov.u32 @p2 s12  }
0x1e: {  	s14 =	simm.s32 @p2 $0x0;
	p2 =	sgt.s32 s16, $0x1FFF  }
0x1f: {  	s16 =	smov.u32 @p2 s2;
	p2 =	sne.s32 s11, s7  }
.Ltmp1:
0x20: {  	p1 =	slt.u32 s11, $0x2;
	(pc) =	sbr.rel @!p2 .LBB1_6-.Ltmp1, $4  }
0x21: {  	s15 =	simm.s32 @!p1 $0x2  }
0x22: {  	s13 =	smov.u32 s9;
	p0 =	por !p0, !p0;
	_ =	swait.ge @!p1 [sflag:s15], $0x4000  }
0x23: {  	s12 =	smov.u32 s10;
	[sflag:s15] =	ssyncset.done @!p1 $0x0;
	s9 =	smov.u32 s14  }
0x24: {  	s11 =	sadd.s32 $0x1, s11;
	[sflag:s15] =	ssyncadd.s32 @!p1 $0xFFFFC000;
	s10 =	smov.u32 s16  }
.LBB1_1:
0x25: {  	p1 =	sge.u32 s11, s5;
	s31 =	sadd.s32 $0xFFFFFFFF, s11  }
0x26: {  	s14 =	sand.u32 @!p1 $0x78, s9;
	s15 =	sshll.u32 @!p1 s10, $0xC;
	s16 =	sshll.u32 @!p1 s10, $0x7  }
0x27: {  	s17 =	sshll.u32 @!p1 s9, $0x3;
	s15 =	sand.u32 @!p1 $0x1FF8000, s15;
	s16 =	sand.u32 @!p1 $0x380, s16  }
0x28: {  	s15 =	sadd.s32 @!p1 s15, s17;
	s17 =	sand.u32 @!p1 $0xC00, s17;
	s14 =	sor.u32 @!p1 s16, s14  }
0x29: {  	s16 =	sxor.u32 @!p1 $0xFFFFFFFF, s11;
	s15 =	sand.u32 @!p1 $0x1FFF000, s15;
	s14 =	sor.u32 @!p1 s17, s14  }
0x2a: {  	s16 =	sshll.u32 @!p1 s16, $0xE;
	s14 =	sor.u32 @!p1 s15, s14;
	s15 =	sand.u32 @!p1 $0x7, s9  }
0x2b: {  	s17 =	simm.s32 @!p1 $0x8000;
	s14 =	sshrl.u32 @!p1 s14, $0x3;
	s15 =	sshll.u32 @!p1 s15, $0x12  }
0x2c: {  	s16 =	sand.u32 @!p1 $0x4000, s16;
	s14 =	sadd.s32 @!p1 s3, s14;
	s15 =	sor.u32 @!p1 $0x400, s15  }
0x2d: {  	[tilespmem:s16], [sflag:$0x1] =	stream.strided.gather @!p1 [hbm4b:s14+s15], $0x4000, s17, s15, $0x38;
	[tilespmem:$0x10100] =	vst v63  }
0x2e: {  	p1 =	sge.u32 s31, s5  }
.Ltmp2:
0x2f: {  	_ = 	snop;
	(pc) =	sbr.rel @p1 .LBB1_5-.Ltmp2, $1  }
0x30: {  	_ =	sdelay $0x3  }
0x31: {  	s14 =	simm.s32 $0x1  }
0x32: {  	_ =	swait.ge [sflag:s4], $0x4000;
	s14 =	simm.s32 @!p0 $0x0  }
0x33: {  	[sflag:s4] =	ssyncset.done $0x0;
	s15 =	sshll.u32 s14, $0xE  }
0x34: {  	[sflag:s4] =	ssyncadd.s32 $0xFFFFC000;
	s16 =	sor.u32 $0x40, s15  }
0x35: {  	s14 =	smul.u32 $0x10200, s14;
	v0 =	vld [tilespmem:s16+$0x30]  }
0x36: {  	v3 =	vld [tilespmem:s16+$0xFFFFFFD0]  }
0x37: {  	s14 =	sshrl.u32 s14, $0x2;
	v4 =	vld [tilespmem:s16+$0xFFFFFFE0]  }
0x38: {  	v5 =	vld [tilespmem:s16+$0xFFFFFFF0];
	s15 =	sor.u32 $0x8000, s14  }
0x39: {  	s31 =	sand.u32 $0x1, s11;
	v1 =	vld [tilespmem:s16+$0x0];
	s17 =	sadd.s32 $0x0, s15  }
0x3a: {  	v2 =	vld [tilespmem:s16+$0x10];
	s14 =	smul.u32 $0x10200, s31;
	[tilespmem:s17+$0x3870 ss:$0x81] =	vst.msk $0xffff, v0  }
0x3b: {  	[tilespmem:s17+$0x810 ss:$0x81] =	vst.msk $0xffff, v3;
	v3 =	vld [tilespmem:s16+$0x20]  }
0x3c: {  	s14 =	sshrl.u32 s14, $0x2;
	v0 =	vld [tilespmem:s16+$0xFFFFFFC0];
	[tilespmem:s17+$0x1020 ss:$0x81] =	vst.msk $0xffff, v4;
	s16 =	sadd.s32 $0x80, s16  }
0x3d: {  	s18 =	simm.s32 $0x4;
	s19 =	simm.s32 $0x8;
	s14 =	sor.u32 $0x8000, s14;
	[tilespmem:s17+$0x1830 ss:$0x81] =	vst.msk $0xffff, v5;
	v4 =	vld [tilespmem:s16+$0x30]  }
.LBB1_3:
0x3e: {  	p1 =	sne.s32 s19, $0x1FC;
	v5 =	vld [tilespmem:s16+$0xFFFFFFD0];
	[tilespmem:s17+$0x2040 ss:$0x81] =	vst.msk $0xffff, v1  }
0x3f: {  	v6 =	vld [tilespmem:s16+$0xFFFFFFE0];
	[tilespmem:s17+$0x2850 ss:$0x81] =	vst.msk $0xffff, v2  }
0x40: {  	s20 =	sshra.s32 s18, $0x2;
	s18 =	smov.u32 s19;
	v7 =	vld [tilespmem:s16+$0xFFFFFFF0];
	[tilespmem:s17+$0x3060 ss:$0x81] =	vst.msk $0xffff, v3  }
.Ltmp3:
0x41: {  	v1 =	vld [tilespmem:s16+$0x0];
	[tilespmem:s17+$0x0 ss:$0x81] =	vst.msk $0xffff, v0;
	s17 =	sadd.s32 s20, s15;
	(pc) =	sbr.rel @p1 .LBB1_3-.Ltmp3, $4  }
0x42: {  	v2 =	vld [tilespmem:s16+$0x10];
	[tilespmem:s17+$0x3870 ss:$0x81] =	vst.msk $0xffff, v4  }
0x43: {  	[tilespmem:s17+$0x810 ss:$0x81] =	vst.msk $0xffff, v5;
	v3 =	vld [tilespmem:s16+$0x20]  }
0x44: {  	v0 =	vld [tilespmem:s16+$0xFFFFFFC0];
	[tilespmem:s17+$0x1020 ss:$0x81] =	vst.msk $0xffff, v6;
	s16 =	sadd.s32 $0x80, s16  }
0x45: {  	s19 =	sadd.s32 $0x4, s19;
	v4 =	vld [tilespmem:s16+$0x30];
	[tilespmem:s17+$0x1830 ss:$0x81] =	vst.msk $0xffff, v7  }
.Ltmp4:
0x46: {  	_ = 	snop;
	(pc) =	sbr.rel .LBB1_4-.Ltmp4, $1  }
0x47: {  	_ =	sdelay $0x3  }
.LBB1_6:
0x48: {  	_ =	sfence.sel $0x180000  }
0x49: {  	s2 =	simm.s32 $0x1;
	[bflag:$0x0] =	sbarrier.arrive $0xFFFF  }
0x4a: {  	s31 =	simm.s32 $0x2;
	[sflag:s2] =	ssyncpa.u1 $0x1  }
0x4b: {  	[sflag:s31] =	ssyncpa.u1 $0x1  }
0x4c: {  	p0 =	sne.s32 s0, $0x0;
	_ =	strace $0x90000059  }
0x4d: {  	s0 =	sadd.s32 @!p0 $0x100000, s1;
	[bflag:$0x2] =	sbarrier.arrive $0xFFFF  }
0x4e: {  	[sflag:s0] =	ssyncadd.tile.s32 @!p0 $0x1;
	_ =	shalt  }
.Lfunc_end1:
_tile_overlayer_lowered:
.L_overlay_start_2:
0x4f: {  	(tag) =	ssettag $0x2  }
0x50: {  	s0 =	rddreg [dreg:$0x0];
	s2 =	stileid.u32  }
0x51: {  	s1 =	rddreg [dreg:$0x1];
	p0 =	sne.s32 s2, $0x0  }
0x52: {  	s3 =	rddreg [dreg:$0x2];
	[bflag:$0x3] =	sbarrier.arrive $0xFFFF;
	s2 =	simm.s32 @!p0 $0x1C01  }
0x53: {  	[timem:s3], [sflag:s2] =	dma.local @!p0 [hbm:s0], s1  }
0x54: {  	s0 =	simm.s32 @!p0 $0x1  }
0x55: {  	_ =	swait.ge @!p0 [sflag:s0], s1  }
0x56: {  	s1 =	ssub.s32 @!p0 $0x0, s1;
	[sflag:s0] =	ssyncset.done @!p0 $0x0  }
0x57: {  	[sflag:s0] =	ssyncadd.s32 @!p0 s1  }
0x58: {  	[bflag:$0x3] =	sbarrier.arrive $0xFFFF  }
0x59: {  	_ =	shalt  }

</sc_bundles>
